<compile_context>
chip_gen: v7x
topology: tpu7x:2x2x1
jax: 0.10.2.dev20260603
libtpu: 0.0.44.dev20260713+nightly
codegen_flags: <defaults>
</compile_context>

<pallas_src>
import functools

import numpy as np
import jax
import jax.numpy as jnp
from jax import lax
from jax.experimental import pallas as pl
from jax.experimental.pallas import tpu as pltpu
from jax.experimental.pallas import tpu_sc as plsc

_B = 8
_A = 3
_F = 64
_NCH = 85
_NL = 16
_NCLS = 80
_CHP = 88
_NTILES = 32
_PER_TILE = _B * _NL * _CHP // _NTILES

_AW = (np.array([13.0, 28.0, 62.0], np.float32) / 4096.0).astype(np.float32)
_AH = (np.array([16.0, 32.0, 35.0], np.float32) / 4096.0).astype(np.float32)
_ATAN_A = np.arctan(_AW / _AH).astype(np.float32)


def _fit_atan_coeffs(deg=10, n=2000):
    k = np.arange(n)
    u = (np.cos(np.pi * (k + 0.5) / n) + 1.0) / 2.0
    x = np.sqrt(u)
    f = np.where(x == 0, 1.0, np.arctan(x) / np.where(x == 0, 1.0, x))
    vand = np.vander(u, deg + 1, increasing=True)
    c, *_ = np.linalg.lstsq(vand, f, rcond=None)
    return [float(ci) for ci in c]


_ATAN_C = _fit_atan_coeffs()


def _atan_pos(z):
    inv = z > 1.0
    y = jnp.where(inv, 1.0 / jnp.where(inv, z, 1.0), z)
    u = y * y
    p = jnp.full_like(u, _ATAN_C[-1])
    for c in _ATAN_C[-2::-1]:
        p = p * u + c
    at = y * p
    return jnp.where(inv, float(np.pi / 2) - at, at)


def _bce(p, t):
    p_safe = jnp.where(p > 0, p, 1.0)
    logp = jnp.where(p > 0, jnp.maximum(jnp.log(p_safe), -100.0), -100.0)
    q = 1.0 - p
    q_safe = jnp.where(q > 0, q, 1.0)
    logq = jnp.where(q > 0, jnp.maximum(jnp.log(q_safe), -100.0), -100.0)
    return -(t * logp + (1.0 - t) * logq)


def _label_prep(label):
    def body(lab_ref, metaf_ref, metai_ref, idx_ref):
        lab = lab_ref[...]
        lx = (lab[:, :, 0] + lab[:, :, 2]) / 16.0
        ly = (lab[:, :, 1] + lab[:, :, 3]) / 16.0
        lw = lab[:, :, 2] / 8.0
        lh = lab[:, :, 3] / 8.0
        cc = lab[:, :, 4].astype(jnp.int32)
        ii = lx.astype(jnp.int32)
        jj = ly.astype(jnp.int32)
        area_a = lw * lh
        at1 = _atan_pos(lw / jnp.where(lh == 0.0, 1e-16, lh))
        best = jnp.zeros(lw.shape, jnp.int32)
        bestv = jnp.full(lw.shape, -jnp.inf, jnp.float32)
        for k in range(_A):
            aw = _AW[k]
            ah = _AH[k]
            iw = jnp.minimum(lw, aw)
            ih = jnp.minimum(lh, ah)
            en = ((iw > 0.0) & (ih > 0.0)).astype(jnp.float32)
            area_i = iw * ih * en
            union = area_a + aw * ah - area_i
            iou = area_i / jnp.where(union == 0.0, 1e-16, union)
            c2 = jnp.maximum(lw, aw) ** 2 + jnp.maximum(lh, ah) ** 2 + 1e-16
            rho2 = ((lw - aw) ** 2 + (lh - ah) ** 2) / 4.0
            v = (4.0 / np.pi ** 2) * (_ATAN_A[k] - at1) ** 2
            denom = 1.0 - iou + v
            alpha = v / jnp.where(denom == 0.0, 1e-16, denom)
            ciou = iou - rho2 / c2 - alpha * v
            take = ciou > bestv
            best = jnp.where(take, k, best)
            bestv = jnp.where(take, ciou, bestv)
        aw_b = jnp.where(best == 0, _AW[0], jnp.where(best == 1, _AW[1], _AW[2]))
        ah_b = jnp.where(best == 0, _AH[0], jnp.where(best == 1, _AH[1], _AH[2]))
        t0 = lx - ii.astype(jnp.float32)
        sc = jnp.sqrt(2.0 - area_a / float(_F * _F))
        lwt = jnp.log(lw / aw_b + 1e-16)
        lht = jnp.log(lh / ah_b + 1e-16)
        metaf_ref[:, 0, :] = lx
        metaf_ref[:, 1, :] = ly
        metaf_ref[:, 2, :] = lw
        metaf_ref[:, 3, :] = lh
        metaf_ref[:, 4, :] = sc
        metaf_ref[:, 5, :] = lwt
        metaf_ref[:, 6, :] = lht
        metaf_ref[:, 7, :] = t0
        metai_ref[:, 0, :] = ii
        metai_ref[:, 1, :] = jj
        metai_ref[:, 2, :] = best
        metai_ref[:, 3, :] = cc
        bidx = lax.broadcasted_iota(jnp.int32, (_B, _NL), 0)
        base = (bidx * 255 + best * _NCH) * (_F * 128) + jj * 128 + ii
        chv = jnp.minimum(
            lax.broadcasted_iota(jnp.int32, (_B, _NL, _CHP), 2), _NCH - 1
        ) * (_F * 128)
        idx_ref[...] = base[:, :, None] + chv

    return pl.pallas_call(
        body,
        out_shape=[
            jax.ShapeDtypeStruct((_B, 8, _NL), jnp.float32),
            jax.ShapeDtypeStruct((_B, 4, _NL), jnp.int32),
            jax.ShapeDtypeStruct((_B, _NL, _CHP), jnp.int32),
        ],
    )(label)


def _gather_cells(xflat, idx2):
    mesh = plsc.VectorSubcoreMesh(core_axis_name="c", subcore_axis_name="s")

    @functools.partial(
        pl.kernel,
        out_type=jax.ShapeDtypeStruct((_NTILES, _PER_TILE), jnp.float32),
        mesh=mesh,
        scratch_types=[
            pltpu.VMEM((_PER_TILE,), jnp.int32),
            pltpu.VMEM((_PER_TILE,), jnp.float32),
            pltpu.SemaphoreType.DMA,
        ],
    )
    def gk(x_hbm, idx_hbm, out_hbm, idx_v, val_v, sem):
        wid = lax.axis_index("s") * 2 + lax.axis_index("c")
        pltpu.sync_copy(idx_hbm.at[wid], idx_v)
        copies = []
        for q in range(_PER_TILE // 88):
            sl = pl.ds(q * 88, 88)
            copies.append(pltpu.async_copy(x_hbm.at[idx_v.at[sl]], val_v.at[sl], sem))
        for cp in copies:
            cp.wait()
        pltpu.sync_copy(val_v, out_hbm.at[wid])

    return gk(xflat, idx2)


def _dense_pass(x, metaf, metai):
    def body(mf_ref, mi_ref, x_ref, out_ref, xlin_ref):
        g = pl.program_id(0)
        b = g // _A
        a = g % _A

        @pl.when(g == 0)
        def _init():
            out_ref[...] = jnp.zeros((1, 128), jnp.float32)

        xall = x_ref[0, 0]
        xlin_ref[0, :, :, pl.ds(0, _F)] = xall
        xb = xall[0:5]
        shp = (_F, _F)
        gj = lax.broadcasted_iota(jnp.int32, shp, 0)
        gi = lax.broadcasted_iota(jnp.int32, shp, 1)
        aw = jnp.where(a == 0, float(_AW[0]),
                       jnp.where(a == 1, float(_AW[1]), float(_AW[2])))
        ah = jnp.where(a == 0, float(_AH[0]),
                       jnp.where(a == 1, float(_AH[1]), float(_AH[2])))
        s0 = jax.nn.sigmoid(xb[0])
        s1 = jax.nn.sigmoid(xb[1])
        px = s0 + gi.astype(jnp.float32)
        py = s1 + gj.astype(jnp.float32)
        pw = jnp.exp(xb[2] * aw)
        ph = jnp.exp(xb[3] * ah)
        s4 = jax.nn.sigmoid(xb[4])
        area_a = (pw - px) * (ph - py)
        best = jnp.zeros(shp, jnp.float32)
        ist = jnp.zeros(shp, jnp.bool_)
        for l in range(_NL):
            lx = mf_ref[b, 0, l]
            ly = mf_ref[b, 1, l]
            lw = mf_ref[b, 2, l]
            lh = mf_ref[b, 3, l]
            tlx = jnp.maximum(px, lx)
            tly = jnp.maximum(py, ly)
            brx = jnp.minimum(pw, lw)
            bry = jnp.minimum(ph, lh)
            en = ((tlx < brx) & (tly < bry)).astype(jnp.float32)
            ai = (brx - tlx) * (bry - tly) * en
            area_b = (lw - lx) * (lh - ly)
            union = area_a + area_b - ai
            iou = ai / jnp.where(union == 0.0, 1e-16, union)
            best = jnp.maximum(best, iou)
            ist = ist | ((a == mi_ref[b, 2, l])
                         & (gj == mi_ref[b, 1, l]) & (gi == mi_ref[b, 0, l]))
        istf = ist.astype(jnp.float32)
        objm = jnp.where(ist, 1.0, 1.0 - (best > 0.5).astype(jnp.float32))
        p = s4 * objm
        lobj = jnp.sum(_bce(p, istf))
        l2 = jnp.sum((p - istf) ** 2)
        lane128 = lax.broadcasted_iota(jnp.int32, (1, 128), 1)
        acc = (jnp.where(lane128 == 0, lobj, 0.0)
               + jnp.where(lane128 == 1, l2, 0.0))
        out_ref[...] += acc

    return pl.pallas_call(
        body,
        grid=(_B * _A,),
        in_specs=[
            pl.BlockSpec(memory_space=pltpu.SMEM),
            pl.BlockSpec(memory_space=pltpu.SMEM),
            pl.BlockSpec((1, 1, _NCH, _F, _F),
                         lambda g: (0, g // _A, g % _A, 0, 0)),
        ],
        out_specs=[
            pl.BlockSpec((1, 128), lambda g: (0, 0)),
            pl.BlockSpec((1, _NCH, _F, 128),
                         lambda g: (g // _A, g % _A, 0, 0)),
        ],
        out_shape=[
            jax.ShapeDtypeStruct((1, 128), jnp.float32),
            jax.ShapeDtypeStruct((_B, _A * _NCH, _F, 128), jnp.float32),
        ],
    )(metaf, metai, x)


def _corrections(cellv, metaf, metai):
    def body(cv_ref, mf_ref, mi_ref, out_ref):
        cv = cv_ref[...]
        sc = mf_ref[:, 4, :]
        lwt = mf_ref[:, 5, :]
        lht = mf_ref[:, 6, :]
        t0 = mf_ref[:, 7, :]
        ii = mi_ref[:, 0, :]
        jj = mi_ref[:, 1, :]
        aa = mi_ref[:, 2, :]
        cc = mi_ref[:, 3, :]
        cellid = (aa * _F + jj) * _F + ii
        same = cellid[:, :, None] == cellid[:, None, :]
        li = lax.broadcasted_iota(jnp.int32, (_B, _NL, _NL), 1)
        ui = lax.broadcasted_iota(jnp.int32, (_B, _NL, _NL), 2)
        is_last = ~jnp.any(same & (ui > li), axis=2)
        samef = same.astype(jnp.float32)
        conehot = (
            lax.broadcasted_iota(jnp.int32, (_B, _NL, _NCLS), 2) == cc[:, :, None]
        ).astype(jnp.float32)
        uni = lax.dot_general(
            samef, conehot, (((2,), (1,)), ((0,), (0,))),
            preferred_element_type=jnp.float32,
        )
        unif = (uni > 0.0).astype(jnp.float32)
        s0 = jax.nn.sigmoid(cv[:, :, 0])
        s1 = jax.nn.sigmoid(cv[:, :, 1])
        v2 = cv[:, :, 2]
        v3 = cv[:, :, 3]
        scls = jax.nn.sigmoid(cv[:, :, 5:_NCH])
        lastf = is_last.astype(jnp.float32)
        sc2 = sc * sc
        bxy = (_bce(s0, t0) + _bce(s1, t0)) * sc2
        dwh = (v2 - lwt) ** 2 + (v3 - lht) ** 2
        lxy = jnp.sum(bxy * lastf)
        lwh = jnp.sum(sc2 * dwh * lastf) * 0.5
        lcls = jnp.sum(jnp.sum(_bce(scls, unif), axis=2) * lastf)
        l2 = jnp.sum(
            ((s0 - t0) ** 2 + (s1 - t0) ** 2 + sc2 * dwh
             + jnp.sum((scls - unif) ** 2, axis=2)) * lastf
        )
        lane128 = lax.broadcasted_iota(jnp.int32, (1, 128), 1)
        acc = (jnp.where(lane128 == 2, lxy, 0.0)
               + jnp.where(lane128 == 3, lwh, 0.0)
               + jnp.where(lane128 == 4, lcls, 0.0)
               + jnp.where(lane128 == 5, l2, 0.0))
        out_ref[...] = acc

    return pl.pallas_call(
        body,
        out_shape=jax.ShapeDtypeStruct((1, 128), jnp.float32),
    )(cellv, metaf, metai)


def kernel(x, label):
    metaf, metai, idx = _label_prep(label)
    idx2 = idx.reshape(_NTILES, _PER_TILE)
    pa, xlin = _dense_pass(x, metaf, metai)
    gath = _gather_cells(xlin.reshape(-1), idx2)
    cellv = gath.reshape(_B, _NL, _CHP)
    pb = _corrections(cellv, metaf, metai)
    loss_xy = pb[0, 2]
    loss_wh = pb[0, 3]
    loss_obj = pa[0, 0]
    loss_cls = pb[0, 4]
    loss_l2 = pa[0, 1] + pb[0, 5]
    loss = loss_xy + loss_wh + loss_obj + loss_cls
    return (loss, loss_xy, loss_wh, loss_obj, loss_cls, loss_l2)

# --- scband reference (transcript-rebuilt; emitter-appended) ---
"""Pipeline reference for scband-detection-loss-10084583211077 (READ-ONLY COPY).

The authoritative reference and input builder live on the scoring server;
editing this copy changes nothing except your own understanding.
"""

import jax, jax.numpy as jnp
import numpy as np

N_CLASSES = 80
N_ANCHORS = 3
IMAGE_SIZE = 512
BATCH = 8
STRIDE = 8
FSIZE = IMAGE_SIZE // STRIDE
N_CH = 5 + N_CLASSES
N_LABELS = 16
ANCHORS = [[13, 16], [28, 32], [62, 35]]
MASKED_ANCHORS = np.array([(w / IMAGE_SIZE / STRIDE, h / IMAGE_SIZE / STRIDE) for w, h in ANCHORS], dtype=np.float32)
REF_ANCHORS = np.zeros((3, 4), dtype=np.float32)
REF_ANCHORS[:, 2:] = MASKED_ANCHORS
GRID_X = jnp.tile(jnp.arange(FSIZE, dtype=jnp.float32), (BATCH, N_ANCHORS, FSIZE, 1))
GRID_Y = jnp.transpose(GRID_X, (0, 1, 3, 2))
ANCHOR_W = jnp.broadcast_to(jnp.asarray(MASKED_ANCHORS[:, 0])[None, :, None, None], (BATCH, N_ANCHORS, FSIZE, FSIZE))
ANCHOR_H = jnp.broadcast_to(jnp.asarray(MASKED_ANCHORS[:, 1])[None, :, None, None], (BATCH, N_ANCHORS, FSIZE, FSIZE))


def bboxes_iou(a, b, CIoU=False):
    tl = jnp.maximum(a[:, None, :2], b[None, :, :2])
    br = jnp.minimum(a[:, None, 2:], b[None, :, 2:])
    area_a = jnp.prod(a[:, 2:] - a[:, :2], axis=1)
    area_b = jnp.prod(b[:, 2:] - b[:, :2], axis=1)
    en = jnp.all(tl < br, axis=2).astype(a.dtype)
    area_i = jnp.prod(br - tl, axis=2) * en
    union = area_a[:, None] + area_b[None, :] - area_i
    iou = area_i / jnp.where(union == 0, 1e-16, union)
    if CIoU:
        con_tl = jnp.minimum(a[:, None, :2], b[None, :, :2])
        con_br = jnp.maximum(a[:, None, 2:], b[None, :, 2:])
        c2 = jnp.sum((con_br - con_tl) ** 2, axis=2) + 1e-16
        ctr_a = (a[:, :2] + a[:, 2:]) / 2.0
        ctr_b = (b[:, :2] + b[:, 2:]) / 2.0
        rho2 = jnp.sum((ctr_a[:, None, :] - ctr_b[None, :, :]) ** 2, axis=2)
        w1 = a[:, 2] - a[:, 0]
        h1 = a[:, 3] - a[:, 1]
        w2 = b[:, 2] - b[:, 0]
        h2 = b[:, 3] - b[:, 1]
        v = (4.0 / np.pi ** 2) * (jnp.arctan(w2[None, :] / jnp.where(h2 == 0, 1e-16, h2)[None, :]) - jnp.arctan(w1[:, None] / jnp.where(h1 == 0, 1e-16, h1)[:, None])) ** 2
        denom = 1.0 - iou + v
        alpha = v / jnp.where(denom == 0, 1e-16, denom)
        return iou - rho2 / c2 - alpha * v
    return iou


def bce_sum(p, t, w=None):
    p_safe = jnp.where(p > 0, p, 1.0)
    logp = jnp.where(p > 0, jnp.maximum(jnp.log(p_safe), -100.0), -100.0)
    q = 1.0 - p
    q_safe = jnp.where(q > 0, q, 1.0)
    logq = jnp.where(q > 0, jnp.maximum(jnp.log(q_safe), -100.0), -100.0)
    l = -(t * logp + (1.0 - t) * logq)
    if w is not None:
        l = l * w
    return jnp.sum(l)


def prepare_target(pred, labels):
    pred = jax.lax.stop_gradient(pred)
    anchors = jnp.asarray(MASKED_ANCHORS)
    obj_list, tm_list, ts_list, tg_list = [], [], [], []
    for b in range(BATCH):
        lab = labels[b]
        n = lab.shape[0]
        obj_b = jnp.ones((N_ANCHORS, FSIZE, FSIZE), jnp.float32)
        tm_b = jnp.zeros((N_ANCHORS, FSIZE, FSIZE, 4 + N_CLASSES), jnp.float32)
        ts_b = jnp.zeros((N_ANCHORS, FSIZE, FSIZE, 2), jnp.float32)
        tg_b = jnp.zeros((N_ANCHORS, FSIZE, FSIZE, N_CH), jnp.float32)
        if n > 0:
            label_x = (lab[:, 0] + lab[:, 2]) / (STRIDE * 2.0)
            label_y = (lab[:, 1] + lab[:, 3]) / (STRIDE * 2.0)
            label_w = lab[:, 2] / STRIDE
            label_h = lab[:, 3] / STRIDE
            label_i = label_x.astype(jnp.int16)
            label_j = label_y.astype(jnp.int16)
            label_box = jnp.zeros((n, 4), dtype=jnp.float32)
            label_box = label_box.at[:, 2].set(label_w)
            label_box = label_box.at[:, 3].set(label_h)
            ious = bboxes_iou(label_box, jnp.asarray(REF_ANCHORS), CIoU=True)
            best_n_all = jnp.argmax(ious, axis=1)
            best_n = best_n_all % N_ANCHORS
            best_n_mask = (best_n_all == 0) | (best_n_all == 1) | (best_n_all == 2)
            any_mask = jnp.sum(best_n_mask) > 0
            label_box = label_box.at[:, 0].set(label_x)
            label_box = label_box.at[:, 1].set(label_y)
            pred_ious = bboxes_iou(pred[b].reshape(-1, 4), label_box)
            pred_best = (jnp.max(pred_ious, axis=1) > 0.5).reshape(pred[b].shape[:3])
            obj_b = jnp.where(any_mask, (~pred_best).astype(jnp.float32), obj_b)

            def body(ti, carry):
                obj_c, tm_c, ts_c, tg_c = carry
                m = best_n_mask[ti]
                i = label_i[ti].astype(jnp.int32)
                j = label_j[ti].astype(jnp.int32)
                a = best_n[ti]
                obj_n = obj_c.at[a, j, i].set(1.0)
                tm_n = tm_c.at[a, j, i, :].set(1.0)
                t0 = label_x[ti] - label_x[ti].astype(jnp.int16).astype(jnp.float32)
                tg_n = tg_c.at[a, j, i, 0].set(t0)
                tg_n = tg_n.at[a, j, i, 1].set(t0)
                tg_n = tg_n.at[a, j, i, 2].set(jnp.log(label_w[ti] / anchors[a, 0] + 1e-16))
                tg_n = tg_n.at[a, j, i, 3].set(jnp.log(label_h[ti] / anchors[a, 1] + 1e-16))
                tg_n = tg_n.at[a, j, i, 4].set(1.0)
                c = lab[ti, 4].astype(jnp.int32)
                tg_n = tg_n.at[a, j, i, 5 + c].set(1.0)
                sc = jnp.sqrt(2.0 - label_w[ti] * label_h[ti] / FSIZE / FSIZE)
                ts_n = ts_c.at[a, j, i, :].set(sc)
                obj_c = jnp.where(m, obj_n, obj_c)
                tm_c = jnp.where(m, tm_n, tm_c)
                ts_c = jnp.where(m, ts_n, ts_c)
                tg_c = jnp.where(m, tg_n, tg_c)
                return (obj_c, tm_c, ts_c, tg_c)

            obj_b, tm_b, ts_b, tg_b = jax.lax.fori_loop(0, n, body, (obj_b, tm_b, ts_b, tg_b))
        obj_list.append(obj_b)
        tm_list.append(tm_b)
        ts_list.append(ts_b)
        tg_list.append(tg_b)
    return jnp.stack(obj_list), jnp.stack(tm_list), jnp.stack(ts_list), jnp.stack(tg_list)


def _forward(x, label):
    output = x[0]
    output = jnp.transpose(output.reshape(BATCH, N_ANCHORS, N_CH, FSIZE, FSIZE), (0, 1, 3, 4, 2))
    sig_idx = np.r_[0:2, 4:N_CH]
    output = output.at[..., sig_idx].set(jax.nn.sigmoid(output[..., sig_idx]))
    pred = output[..., :4]
    pred = pred.at[..., 0].add(GRID_X)
    pred = pred.at[..., 1].add(GRID_Y)
    pred = pred.at[..., 2].set(jnp.exp(pred[..., 2] * ANCHOR_W))
    pred = pred.at[..., 3].set(jnp.exp(pred[..., 3] * ANCHOR_H))
    obj_mask, target_mask, target_scale, target = prepare_target(pred, label)
    m_idx = np.r_[0:4, 5:N_CH]
    output = output.at[..., 4].multiply(obj_mask)
    output = output.at[..., m_idx].set(output[..., m_idx] * target_mask)
    output = output.at[..., 2:4].set(output[..., 2:4] * target_scale)
    target = target.at[..., 4].multiply(obj_mask)
    target = target.at[..., m_idx].set(target[..., m_idx] * target_mask)
    target = target.at[..., 2:4].set(target[..., 2:4] * target_scale)
    loss_xy = bce_sum(output[..., :2], target[..., :2], target_scale * target_scale)
    loss_wh = jnp.sum((output[..., 2:4] - target[..., 2:4]) ** 2) / 2.0
    loss_obj = bce_sum(output[..., 4], target[..., 4])
    loss_cls = bce_sum(output[..., 5:], target[..., 5:])
    loss_l2 = jnp.sum((output - target) ** 2)
    loss = loss_xy + loss_wh + loss_obj + loss_cls
    return (loss, loss_xy, loss_wh, loss_obj, loss_cls, loss_l2)


def setup_inputs(seed: int = 0):
    key = jax.random.key(seed)
    k1, k2, k3 = jax.random.split(key, 3)
    x = jax.random.normal(k1, (1, BATCH, N_ANCHORS * N_CH, FSIZE, FSIZE), dtype=jnp.float32)
    coords = jax.random.uniform(k2, (BATCH, N_LABELS, 4), minval=0.0, maxval=500.0, dtype=jnp.float32)
    cls = jax.random.randint(k3, (BATCH, N_LABELS, 1), 0, N_CLASSES).astype(jnp.float32)
    label = jnp.concatenate([coords, cls], axis=-1)
    return {"x": x, "label": label}


def reference(x, label):
    return _forward(x, label)

if __name__ == "__main__":
    import jax
    _d = setup_inputs()
    print(jax.jit(kernel)(*tuple(_d.values())))

</pallas_src>

<mosaic_0001>
#map = affine_map<(d0, d1) -> (0)>
#map1 = affine_map<(d0, d1) -> (0, 0)>
module attributes {stable_mosaic.version = 14 : i64} {
  func.func @gk(%arg0: i32, %arg1: i32, %arg2: memref<16711680xf32, #tpu.memory_space<hbm>>, %arg3: memref<32x352xi32, #tpu.memory_space<hbm>>, %arg4: memref<32x352xf32, #tpu.memory_space<hbm>>, %arg5: memref<352xi32, #tpu.memory_space<vmem>>, %arg6: memref<352xf32, #tpu.memory_space<vmem>>, %arg7: memref<!tpu.dma_semaphore, #tpu.memory_space<semaphore_mem>>) attributes {dimension_semantics = [#tpu.dimension_semantics<core_parallel>, #tpu.dimension_semantics<subcore_parallel>], iteration_bounds = array<i64: 2, 16>, scalar_prefetch = 0 : i64, scratch_operands = 3 : i64, tpu.core_type = #tpu.core_type<sc_vector_subcore>, window_params = [{transform_indices = #map}, {transform_indices = #map1}, {transform_indices = #map1}]} {
    %mul3A = arith.constant 2 : i32
    %mul3A_0 = arith.muli %arg1, %mul3A : i32
    %add3A = arith.addi %mul3A_0, %arg0 : i32
    "tpu.region"() ({
      %run_scoped3A = tpu.sem_alloc : memref<!tpu.dma_semaphore, #tpu.memory_space<semaphore_mem>>
      %dma_start3A_47 = arith.constant 0 : i32
      %dma_start3A_48 = tpu.memref_slice %arg3[%add3A, %dma_start3A_47] : memref<32x352xi32, #tpu.memory_space<hbm>> -> memref<1x352xi32, #tpu.memory_space<hbm>>
      %dma_start3A_49 = tpu.memref_squeeze %dma_start3A_48 : memref<1x352xi32, #tpu.memory_space<hbm>> -> memref<352xi32, #tpu.memory_space<hbm>>
      %dma_start3A_50 = arith.constant 0 : i32
      %dma_start3A_51 = tpu.memref_slice %arg3[%add3A, %dma_start3A_50] : memref<32x352xi32, #tpu.memory_space<hbm>> -> memref<1x352xi32, #tpu.memory_space<hbm>>
      %dma_start3A_52 = tpu.memref_squeeze %dma_start3A_51 : memref<1x352xi32, #tpu.memory_space<hbm>> -> memref<352xi32, #tpu.memory_space<hbm>>
      tpu.enqueue_dma source(%dma_start3A_52 : memref<352xi32, #tpu.memory_space<hbm>>) target(%arg5 : memref<352xi32, #tpu.memory_space<vmem>>) target_semaphore(%run_scoped3A : memref<!tpu.dma_semaphore, #tpu.memory_space<semaphore_mem>>)
      %dma_wait3A_53 = arith.constant 0 : i32
      %dma_wait3A_54 = tpu.memref_slice %arg3[%add3A, %dma_wait3A_53] : memref<32x352xi32, #tpu.memory_space<hbm>> -> memref<1x352xi32, #tpu.memory_space<hbm>>
      %dma_wait3A_55 = tpu.memref_squeeze %dma_wait3A_54 : memref<1x352xi32, #tpu.memory_space<hbm>> -> memref<352xi32, #tpu.memory_space<hbm>>
      %dma_wait3A_56 = arith.constant 0 : i32
      %dma_wait3A_57 = tpu.memref_slice %arg3[%add3A, %dma_wait3A_56] : memref<32x352xi32, #tpu.memory_space<hbm>> -> memref<1x352xi32, #tpu.memory_space<hbm>>
      %dma_wait3A_58 = tpu.memref_squeeze %dma_wait3A_57 : memref<1x352xi32, #tpu.memory_space<hbm>> -> memref<352xi32, #tpu.memory_space<hbm>>
      tpu.wait_dma2 semaphore(%run_scoped3A : memref<!tpu.dma_semaphore, #tpu.memory_space<semaphore_mem>>) src(%dma_wait3A_58 : memref<352xi32, #tpu.memory_space<hbm>>) dst(%arg5 : memref<352xi32, #tpu.memory_space<vmem>>)
      tpu.yield
    }) : () -> ()
    %dma_start3A = arith.constant 0 : i32
    %dma_start3A_1 = tpu.memref_slice %arg6[%dma_start3A] : memref<352xf32, #tpu.memory_space<vmem>> -> memref<88xf32, #tpu.memory_space<vmem>>
    %dma_start3A_2 = arith.constant 0 : i32
    %dma_start3A_3 = tpu.memref_slice %arg5[%dma_start3A_2] : memref<352xi32, #tpu.memory_space<vmem>> -> memref<88xi32, #tpu.memory_space<vmem>>
    %dma_start3A_4 = arith.constant 0 : i32
    %dma_start3A_5 = tpu.memref_slice %arg2[%dma_start3A_4] : memref<16711680xf32, #tpu.memory_space<hbm>> -> memref<16711680xf32, #tpu.memory_space<hbm>>
    tpu.enqueue_indirect_dma source(%dma_start3A_5 : memref<16711680xf32, #tpu.memory_space<hbm>>) target(%dma_start3A_1 : memref<88xf32, #tpu.memory_space<vmem>>) offsets(%dma_start3A_3 : memref<88xi32, #tpu.memory_space<vmem>>) semaphore(%arg7 : memref<!tpu.dma_semaphore, #tpu.memory_space<semaphore_mem>>)
    %dma_start3A_6 = arith.constant 88 : i32
    %dma_start3A_7 = tpu.memref_slice %arg6[%dma_start3A_6] : memref<352xf32, #tpu.memory_space<vmem>> -> memref<88xf32, #tpu.memory_space<vmem>>
    %dma_start3A_8 = arith.constant 88 : i32
    %dma_start3A_9 = tpu.memref_slice %arg5[%dma_start3A_8] : memref<352xi32, #tpu.memory_space<vmem>> -> memref<88xi32, #tpu.memory_space<vmem>>
    %dma_start3A_10 = arith.constant 0 : i32
    %dma_start3A_11 = tpu.memref_slice %arg2[%dma_start3A_10] : memref<16711680xf32, #tpu.memory_space<hbm>> -> memref<16711680xf32, #tpu.memory_space<hbm>>
    tpu.enqueue_indirect_dma source(%dma_start3A_11 : memref<16711680xf32, #tpu.memory_space<hbm>>) target(%dma_start3A_7 : memref<88xf32, #tpu.memory_space<vmem>>) offsets(%dma_start3A_9 : memref<88xi32, #tpu.memory_space<vmem>>) semaphore(%arg7 : memref<!tpu.dma_semaphore, #tpu.memory_space<semaphore_mem>>)
    %dma_start3A_12 = arith.constant 176 : i32
    %dma_start3A_13 = tpu.memref_slice %arg6[%dma_start3A_12] : memref<352xf32, #tpu.memory_space<vmem>> -> memref<88xf32, #tpu.memory_space<vmem>>
    %dma_start3A_14 = arith.constant 176 : i32
    %dma_start3A_15 = tpu.memref_slice %arg5[%dma_start3A_14] : memref<352xi32, #tpu.memory_space<vmem>> -> memref<88xi32, #tpu.memory_space<vmem>>
    %dma_start3A_16 = arith.constant 0 : i32
    %dma_start3A_17 = tpu.memref_slice %arg2[%dma_start3A_16] : memref<16711680xf32, #tpu.memory_space<hbm>> -> memref<16711680xf32, #tpu.memory_space<hbm>>
    tpu.enqueue_indirect_dma source(%dma_start3A_17 : memref<16711680xf32, #tpu.memory_space<hbm>>) target(%dma_start3A_13 : memref<88xf32, #tpu.memory_space<vmem>>) offsets(%dma_start3A_15 : memref<88xi32, #tpu.memory_space<vmem>>) semaphore(%arg7 : memref<!tpu.dma_semaphore, #tpu.memory_space<semaphore_mem>>)
    %dma_start3A_18 = arith.constant 264 : i32
    %dma_start3A_19 = tpu.memref_slice %arg6[%dma_start3A_18] : memref<352xf32, #tpu.memory_space<vmem>> -> memref<88xf32, #tpu.memory_space<vmem>>
    %dma_start3A_20 = arith.constant 264 : i32
    %dma_start3A_21 = tpu.memref_slice %arg5[%dma_start3A_20] : memref<352xi32, #tpu.memory_space<vmem>> -> memref<88xi32, #tpu.memory_space<vmem>>
    %dma_start3A_22 = arith.constant 0 : i32
    %dma_start3A_23 = tpu.memref_slice %arg2[%dma_start3A_22] : memref<16711680xf32, #tpu.memory_space<hbm>> -> memref<16711680xf32, #tpu.memory_space<hbm>>
    tpu.enqueue_indirect_dma source(%dma_start3A_23 : memref<16711680xf32, #tpu.memory_space<hbm>>) target(%dma_start3A_19 : memref<88xf32, #tpu.memory_space<vmem>>) offsets(%dma_start3A_21 : memref<88xi32, #tpu.memory_space<vmem>>) semaphore(%arg7 : memref<!tpu.dma_semaphore, #tpu.memory_space<semaphore_mem>>)
    %dma_wait3A = arith.constant 0 : i32
    %dma_wait3A_24 = tpu.memref_slice %arg6[%dma_wait3A] : memref<352xf32, #tpu.memory_space<vmem>> -> memref<88xf32, #tpu.memory_space<vmem>>
    %dma_wait3A_25 = arith.constant 0 : i32
    %dma_wait3A_26 = tpu.memref_slice %arg5[%dma_wait3A_25] : memref<352xi32, #tpu.memory_space<vmem>> -> memref<88xi32, #tpu.memory_space<vmem>>
    %dma_wait3A_27 = arith.constant 0 : i32
    %dma_wait3A_28 = tpu.memref_slice %arg2[%dma_wait3A_27] : memref<16711680xf32, #tpu.memory_space<hbm>> -> memref<16711680xf32, #tpu.memory_space<hbm>>
    tpu.wait_indirect_dma semaphore(%arg7 : memref<!tpu.dma_semaphore, #tpu.memory_space<semaphore_mem>>) src(%dma_wait3A_28 : memref<16711680xf32, #tpu.memory_space<hbm>>) dst(%dma_wait3A_24 : memref<88xf32, #tpu.memory_space<vmem>>)
    %dma_wait3A_29 = arith.constant 88 : i32
    %dma_wait3A_30 = tpu.memref_slice %arg6[%dma_wait3A_29] : memref<352xf32, #tpu.memory_space<vmem>> -> memref<88xf32, #tpu.memory_space<vmem>>
    %dma_wait3A_31 = arith.constant 88 : i32
    %dma_wait3A_32 = tpu.memref_slice %arg5[%dma_wait3A_31] : memref<352xi32, #tpu.memory_space<vmem>> -> memref<88xi32, #tpu.memory_space<vmem>>
    %dma_wait3A_33 = arith.constant 0 : i32
    %dma_wait3A_34 = tpu.memref_slice %arg2[%dma_wait3A_33] : memref<16711680xf32, #tpu.memory_space<hbm>> -> memref<16711680xf32, #tpu.memory_space<hbm>>
    tpu.wait_indirect_dma semaphore(%arg7 : memref<!tpu.dma_semaphore, #tpu.memory_space<semaphore_mem>>) src(%dma_wait3A_34 : memref<16711680xf32, #tpu.memory_space<hbm>>) dst(%dma_wait3A_30 : memref<88xf32, #tpu.memory_space<vmem>>)
    %dma_wait3A_35 = arith.constant 176 : i32
    %dma_wait3A_36 = tpu.memref_slice %arg6[%dma_wait3A_35] : memref<352xf32, #tpu.memory_space<vmem>> -> memref<88xf32, #tpu.memory_space<vmem>>
    %dma_wait3A_37 = arith.constant 176 : i32
    %dma_wait3A_38 = tpu.memref_slice %arg5[%dma_wait3A_37] : memref<352xi32, #tpu.memory_space<vmem>> -> memref<88xi32, #tpu.memory_space<vmem>>
    %dma_wait3A_39 = arith.constant 0 : i32
    %dma_wait3A_40 = tpu.memref_slice %arg2[%dma_wait3A_39] : memref<16711680xf32, #tpu.memory_space<hbm>> -> memref<16711680xf32, #tpu.memory_space<hbm>>
    tpu.wait_indirect_dma semaphore(%arg7 : memref<!tpu.dma_semaphore, #tpu.memory_space<semaphore_mem>>) src(%dma_wait3A_40 : memref<16711680xf32, #tpu.memory_space<hbm>>) dst(%dma_wait3A_36 : memref<88xf32, #tpu.memory_space<vmem>>)
    %dma_wait3A_41 = arith.constant 264 : i32
    %dma_wait3A_42 = tpu.memref_slice %arg6[%dma_wait3A_41] : memref<352xf32, #tpu.memory_space<vmem>> -> memref<88xf32, #tpu.memory_space<vmem>>
    %dma_wait3A_43 = arith.constant 264 : i32
    %dma_wait3A_44 = tpu.memref_slice %arg5[%dma_wait3A_43] : memref<352xi32, #tpu.memory_space<vmem>> -> memref<88xi32, #tpu.memory_space<vmem>>
    %dma_wait3A_45 = arith.constant 0 : i32
    %dma_wait3A_46 = tpu.memref_slice %arg2[%dma_wait3A_45] : memref<16711680xf32, #tpu.memory_space<hbm>> -> memref<16711680xf32, #tpu.memory_space<hbm>>
    tpu.wait_indirect_dma semaphore(%arg7 : memref<!tpu.dma_semaphore, #tpu.memory_space<semaphore_mem>>) src(%dma_wait3A_46 : memref<16711680xf32, #tpu.memory_space<hbm>>) dst(%dma_wait3A_42 : memref<88xf32, #tpu.memory_space<vmem>>)
    "tpu.region"() ({
      %run_scoped3A = tpu.sem_alloc : memref<!tpu.dma_semaphore, #tpu.memory_space<semaphore_mem>>
      %dma_start3A_47 = arith.constant 0 : i32
      %dma_start3A_48 = tpu.memref_slice %arg4[%add3A, %dma_start3A_47] : memref<32x352xf32, #tpu.memory_space<hbm>> -> memref<1x352xf32, #tpu.memory_space<hbm>>
      %dma_start3A_49 = tpu.memref_squeeze %dma_start3A_48 : memref<1x352xf32, #tpu.memory_space<hbm>> -> memref<352xf32, #tpu.memory_space<hbm>>
      %dma_start3A_50 = arith.constant 0 : i32
      %dma_start3A_51 = tpu.memref_slice %arg4[%add3A, %dma_start3A_50] : memref<32x352xf32, #tpu.memory_space<hbm>> -> memref<1x352xf32, #tpu.memory_space<hbm>>
      %dma_start3A_52 = tpu.memref_squeeze %dma_start3A_51 : memref<1x352xf32, #tpu.memory_space<hbm>> -> memref<352xf32, #tpu.memory_space<hbm>>
      tpu.enqueue_dma source(%arg6 : memref<352xf32, #tpu.memory_space<vmem>>) target(%dma_start3A_52 : memref<352xf32, #tpu.memory_space<hbm>>) target_semaphore(%run_scoped3A : memref<!tpu.dma_semaphore, #tpu.memory_space<semaphore_mem>>)
      %dma_wait3A_53 = arith.constant 0 : i32
      %dma_wait3A_54 = tpu.memref_slice %arg4[%add3A, %dma_wait3A_53] : memref<32x352xf32, #tpu.memory_space<hbm>> -> memref<1x352xf32, #tpu.memory_space<hbm>>
      %dma_wait3A_55 = tpu.memref_squeeze %dma_wait3A_54 : memref<1x352xf32, #tpu.memory_space<hbm>> -> memref<352xf32, #tpu.memory_space<hbm>>
      %dma_wait3A_56 = arith.constant 0 : i32
      %dma_wait3A_57 = tpu.memref_slice %arg4[%add3A, %dma_wait3A_56] : memref<32x352xf32, #tpu.memory_space<hbm>> -> memref<1x352xf32, #tpu.memory_space<hbm>>
      %dma_wait3A_58 = tpu.memref_squeeze %dma_wait3A_57 : memref<1x352xf32, #tpu.memory_space<hbm>> -> memref<352xf32, #tpu.memory_space<hbm>>
      tpu.wait_dma2 semaphore(%run_scoped3A : memref<!tpu.dma_semaphore, #tpu.memory_space<semaphore_mem>>) src(%arg6 : memref<352xf32, #tpu.memory_space<vmem>>) dst(%dma_wait3A_58 : memref<352xf32, #tpu.memory_space<hbm>>)
      tpu.yield
    }) : () -> ()
    return
  }
}

module attributes {stable_mosaic.version = 14 : i64} {
  func.func @body(%arg0: memref<8x16x5xf32, #tpu.memory_space<vmem>>, %arg1: memref<8x8x16xf32, #tpu.memory_space<vmem>>, %arg2: memref<8x4x16xi32, #tpu.memory_space<vmem>>, %arg3: memref<8x16x88xi32, #tpu.memory_space<vmem>>) attributes {dimension_semantics = [], scalar_prefetch = 0 : i64, scratch_operands = 0 : i64, tpu.core_type = #tpu.core_type<tc>} {
    %get3A = arith.constant 0 : index
    %get3A_0 = arith.constant 0 : index
    %get3A_1 = arith.constant 0 : index
    %get3A_2 = vector.load %arg0[%get3A, %get3A_0, %get3A_1] : memref<8x16x5xf32, #tpu.memory_space<vmem>>, vector<8x16x5xf32>
    %slice3A = vector.extract_strided_slice %get3A_2 {offsets = [0, 0, 0], sizes = [8, 16, 1], strides = [1, 1, 1]} : vector<8x16x5xf32> to vector<8x16x1xf32>
    %squeeze3A = vector.shape_cast %slice3A : vector<8x16x1xf32> to vector<8x16xf32>
    %slice3A_3 = vector.extract_strided_slice %get3A_2 {offsets = [0, 0, 2], sizes = [8, 16, 1], strides = [1, 1, 1]} : vector<8x16x5xf32> to vector<8x16x1xf32>
    %squeeze3A_4 = vector.shape_cast %slice3A_3 : vector<8x16x1xf32> to vector<8x16xf32>
    %add3A = arith.addf %squeeze3A, %squeeze3A_4 : vector<8x16xf32>
    %div3A = arith.constant 1.600000e+01 : f32
    %div3A_5 = vector.broadcast %div3A : f32 to vector<8x16xf32>
    %div3A_6 = arith.divf %add3A, %div3A_5 : vector<8x16xf32>
    %slice3A_7 = vector.extract_strided_slice %get3A_2 {offsets = [0, 0, 1], sizes = [8, 16, 1], strides = [1, 1, 1]} : vector<8x16x5xf32> to vector<8x16x1xf32>
    %squeeze3A_8 = vector.shape_cast %slice3A_7 : vector<8x16x1xf32> to vector<8x16xf32>
    %slice3A_9 = vector.extract_strided_slice %get3A_2 {offsets = [0, 0, 3], sizes = [8, 16, 1], strides = [1, 1, 1]} : vector<8x16x5xf32> to vector<8x16x1xf32>
    %squeeze3A_10 = vector.shape_cast %slice3A_9 : vector<8x16x1xf32> to vector<8x16xf32>
    %add3A_11 = arith.addf %squeeze3A_8, %squeeze3A_10 : vector<8x16xf32>
    %div3A_12 = arith.constant 1.600000e+01 : f32
    %div3A_13 = vector.broadcast %div3A_12 : f32 to vector<8x16xf32>
    %div3A_14 = arith.divf %add3A_11, %div3A_13 : vector<8x16xf32>
    %slice3A_15 = vector.extract_strided_slice %get3A_2 {offsets = [0, 0, 2], sizes = [8, 16, 1], strides = [1, 1, 1]} : vector<8x16x5xf32> to vector<8x16x1xf32>
    %squeeze3A_16 = vector.shape_cast %slice3A_15 : vector<8x16x1xf32> to vector<8x16xf32>
    %div3A_17 = arith.constant 8.000000e+00 : f32
    %div3A_18 = vector.broadcast %div3A_17 : f32 to vector<8x16xf32>
    %div3A_19 = arith.divf %squeeze3A_16, %div3A_18 : vector<8x16xf32>
    %slice3A_20 = vector.extract_strided_slice %get3A_2 {offsets = [0, 0, 3], sizes = [8, 16, 1], strides = [1, 1, 1]} : vector<8x16x5xf32> to vector<8x16x1xf32>
    %squeeze3A_21 = vector.shape_cast %slice3A_20 : vector<8x16x1xf32> to vector<8x16xf32>
    %div3A_22 = arith.constant 8.000000e+00 : f32
    %div3A_23 = vector.broadcast %div3A_22 : f32 to vector<8x16xf32>
    %div3A_24 = arith.divf %squeeze3A_21, %div3A_23 : vector<8x16xf32>
    %slice3A_25 = vector.extract_strided_slice %get3A_2 {offsets = [0, 0, 4], sizes = [8, 16, 1], strides = [1, 1, 1]} : vector<8x16x5xf32> to vector<8x16x1xf32>
    %squeeze3A_26 = vector.shape_cast %slice3A_25 : vector<8x16x1xf32> to vector<8x16xf32>
    %convert_element_type3A = arith.fptosi %squeeze3A_26 : vector<8x16xf32> to vector<8x16xi32>
    %convert_element_type3A_27 = arith.fptosi %div3A_6 : vector<8x16xf32> to vector<8x16xi32>
    %convert_element_type3A_28 = arith.fptosi %div3A_14 : vector<8x16xf32> to vector<8x16xi32>
    %mul3A = arith.mulf %div3A_19, %div3A_24 : vector<8x16xf32>
    %eq3A = arith.constant 0.000000e+00 : f32
    %eq3A_29 = vector.broadcast %eq3A : f32 to vector<8x16xf32>
    %eq3A_30 = arith.cmpf oeq, %div3A_24, %eq3A_29 : vector<8x16xf32>
    %jit3A = arith.constant 1.000000e-16 : f32
    %broadcast_in_dim3A = vector.broadcast %jit3A : f32 to vector<8x16xf32>
    %select_n3A = arith.select %eq3A_30, %broadcast_in_dim3A, %div3A_24 : vector<8x16xi1>, vector<8x16xf32>
    %div3A_31 = arith.divf %div3A_19, %select_n3A : vector<8x16xf32>
    %gt3A = arith.constant 1.000000e+00 : f32
    %gt3A_32 = vector.broadcast %gt3A : f32 to vector<8x16xf32>
    %gt3A_33 = arith.cmpf ogt, %div3A_31, %gt3A_32 : vector<8x16xf32>
    %jit3A_34 = arith.constant 1.000000e+00 : f32
    %broadcast_in_dim3A_35 = vector.broadcast %jit3A_34 : f32 to vector<8x16xf32>
    %select_n3A_36 = arith.select %gt3A_33, %div3A_31, %broadcast_in_dim3A_35 : vector<8x16xi1>, vector<8x16xf32>
    %div3A_37 = arith.constant 1.000000e+00 : f32
    %div3A_38 = vector.broadcast %div3A_37 : f32 to vector<8x16xf32>
    %div3A_39 = arith.divf %div3A_38, %select_n3A_36 : vector<8x16xf32>
    %select_n3A_40 = arith.select %gt3A_33, %div3A_39, %div3A_31 : vector<8x16xi1>, vector<8x16xf32>
    %mul3A_41 = arith.mulf %select_n3A_40, %select_n3A_40 : vector<8x16xf32>
    %broadcast_in_dim3A_42 = arith.constant 0.00108449277 : f32
    %broadcast_in_dim3A_43 = vector.broadcast %broadcast_in_dim3A_42 : f32 to vector<8x16xf32>
    %mul3A_44 = arith.mulf %broadcast_in_dim3A_43, %mul3A_41 : vector<8x16xf32>
    %add3A_45 = arith.constant -0.00716616493 : f32
    %add3A_46 = vector.broadcast %add3A_45 : f32 to vector<8x16xf32>
    %add3A_47 = arith.addf %mul3A_44, %add3A_46 : vector<8x16xf32>
    %mul3A_48 = arith.mulf %add3A_47, %mul3A_41 : vector<8x16xf32>
    %add3A_49 = arith.constant 0.0222034547 : f32
    %add3A_50 = vector.broadcast %add3A_49 : f32 to vector<8x16xf32>
    %add3A_51 = arith.addf %mul3A_48, %add3A_50 : vector<8x16xf32>
    %mul3A_52 = arith.mulf %add3A_51, %mul3A_41 : vector<8x16xf32>
    %add3A_53 = arith.constant -0.044273667 : f32
    %add3A_54 = vector.broadcast %add3A_53 : f32 to vector<8x16xf32>
    %add3A_55 = arith.addf %mul3A_52, %add3A_54 : vector<8x16xf32>
    %mul3A_56 = arith.mulf %add3A_55, %mul3A_41 : vector<8x16xf32>
    %add3A_57 = arith.constant 0.0671011433 : f32
    %add3A_58 = vector.broadcast %add3A_57 : f32 to vector<8x16xf32>
    %add3A_59 = arith.addf %mul3A_56, %add3A_58 : vector<8x16xf32>
    %mul3A_60 = arith.mulf %add3A_59, %mul3A_41 : vector<8x16xf32>
    %add3A_61 = arith.constant -0.0879611745 : f32
    %add3A_62 = vector.broadcast %add3A_61 : f32 to vector<8x16xf32>
    %add3A_63 = arith.addf %mul3A_60, %add3A_62 : vector<8x16xf32>
    %mul3A_64 = arith.mulf %add3A_63, %mul3A_41 : vector<8x16xf32>
    %add3A_65 = arith.constant 0.110537849 : f32
    %add3A_66 = vector.broadcast %add3A_65 : f32 to vector<8x16xf32>
    %add3A_67 = arith.addf %mul3A_64, %add3A_66 : vector<8x16xf32>
    %mul3A_68 = arith.mulf %add3A_67, %mul3A_41 : vector<8x16xf32>
    %add3A_69 = arith.constant -0.142790481 : f32
    %add3A_70 = vector.broadcast %add3A_69 : f32 to vector<8x16xf32>
    %add3A_71 = arith.addf %mul3A_68, %add3A_70 : vector<8x16xf32>
    %mul3A_72 = arith.mulf %add3A_71, %mul3A_41 : vector<8x16xf32>
    %add3A_73 = arith.constant 0.199995965 : f32
    %add3A_74 = vector.broadcast %add3A_73 : f32 to vector<8x16xf32>
    %add3A_75 = arith.addf %mul3A_72, %add3A_74 : vector<8x16xf32>
    %mul3A_76 = arith.mulf %add3A_75, %mul3A_41 : vector<8x16xf32>
    %add3A_77 = arith.constant -0.333333224 : f32
    %add3A_78 = vector.broadcast %add3A_77 : f32 to vector<8x16xf32>
    %add3A_79 = arith.addf %mul3A_76, %add3A_78 : vector<8x16xf32>
    %mul3A_80 = arith.mulf %add3A_79, %mul3A_41 : vector<8x16xf32>
    %add3A_81 = arith.constant 1.000000e+00 : f32
    %add3A_82 = vector.broadcast %add3A_81 : f32 to vector<8x16xf32>
    %add3A_83 = arith.addf %mul3A_80, %add3A_82 : vector<8x16xf32>
    %mul3A_84 = arith.mulf %select_n3A_40, %add3A_83 : vector<8x16xf32>
    %sub3A = arith.constant 1.57079637 : f32
    %sub3A_85 = vector.broadcast %sub3A : f32 to vector<8x16xf32>
    %sub3A_86 = arith.subf %sub3A_85, %mul3A_84 : vector<8x16xf32>
    %select_n3A_87 = arith.select %gt3A_33, %sub3A_86, %mul3A_84 : vector<8x16xi1>, vector<8x16xf32>
    %broadcast_in_dim3A_88 = arith.constant 0 : i32
    %broadcast_in_dim3A_89 = vector.broadcast %broadcast_in_dim3A_88 : i32 to vector<8x16xi32>
    %broadcast_in_dim3A_90 = arith.constant 0xFF800000 : f32
    %broadcast_in_dim3A_91 = vector.broadcast %broadcast_in_dim3A_90 : f32 to vector<8x16xf32>
    %min3A = arith.constant 0.00317382813 : f32
    %min3A_92 = vector.broadcast %min3A : f32 to vector<8x16xf32>
    %min3A_93 = arith.minimumf %div3A_19, %min3A_92 : vector<8x16xf32>
    %min3A_94 = arith.constant 3.906250e-03 : f32
    %min3A_95 = vector.broadcast %min3A_94 : f32 to vector<8x16xf32>
    %min3A_96 = arith.minimumf %div3A_24, %min3A_95 : vector<8x16xf32>
    %gt3A_97 = arith.constant 0.000000e+00 : f32
    %gt3A_98 = vector.broadcast %gt3A_97 : f32 to vector<8x16xf32>
    %gt3A_99 = arith.cmpf ogt, %min3A_93, %gt3A_98 : vector<8x16xf32>
    %gt3A_100 = arith.constant 0.000000e+00 : f32
    %gt3A_101 = vector.broadcast %gt3A_100 : f32 to vector<8x16xf32>
    %gt3A_102 = arith.cmpf ogt, %min3A_96, %gt3A_101 : vector<8x16xf32>
    %and3A = arith.andi %gt3A_99, %gt3A_102 : vector<8x16xi1>
    %convert_element_type3A_103 = arith.extui %and3A : vector<8x16xi1> to vector<8x16xi32>
    %convert_element_type3A_104 = arith.sitofp %convert_element_type3A_103 : vector<8x16xi32> to vector<8x16xf32>
    %mul3A_105 = arith.mulf %min3A_93, %min3A_96 : vector<8x16xf32>
    %mul3A_106 = arith.mulf %mul3A_105, %convert_element_type3A_104 : vector<8x16xf32>
    %add3A_107 = arith.constant 1.23977661E-5 : f32
    %add3A_108 = vector.broadcast %add3A_107 : f32 to vector<8x16xf32>
    %add3A_109 = arith.addf %mul3A, %add3A_108 : vector<8x16xf32>
    %sub3A_110 = arith.subf %add3A_109, %mul3A_106 : vector<8x16xf32>
    %eq3A_111 = arith.constant 0.000000e+00 : f32
    %eq3A_112 = vector.broadcast %eq3A_111 : f32 to vector<8x16xf32>
    %eq3A_113 = arith.cmpf oeq, %sub3A_110, %eq3A_112 : vector<8x16xf32>
    %jit3A_114 = arith.constant 1.000000e-16 : f32
    %broadcast_in_dim3A_115 = vector.broadcast %jit3A_114 : f32 to vector<8x16xf32>
    %select_n3A_116 = arith.select %eq3A_113, %broadcast_in_dim3A_115, %sub3A_110 : vector<8x16xi1>, vector<8x16xf32>
    %div3A_117 = arith.divf %mul3A_106, %select_n3A_116 : vector<8x16xf32>
    %max3A = arith.constant 0.00317382813 : f32
    %max3A_118 = vector.broadcast %max3A : f32 to vector<8x16xf32>
    %max3A_119 = arith.maximumf %div3A_19, %max3A_118 : vector<8x16xf32>
    %integer_pow3A = arith.mulf %max3A_119, %max3A_119 : vector<8x16xf32>
    %max3A_120 = arith.constant 3.906250e-03 : f32
    %max3A_121 = vector.broadcast %max3A_120 : f32 to vector<8x16xf32>
    %max3A_122 = arith.maximumf %div3A_24, %max3A_121 : vector<8x16xf32>
    %integer_pow3A_123 = arith.mulf %max3A_122, %max3A_122 : vector<8x16xf32>
    %add3A_124 = arith.addf %integer_pow3A, %integer_pow3A_123 : vector<8x16xf32>
    %add3A_125 = arith.constant 1.000000e-16 : f32
    %add3A_126 = vector.broadcast %add3A_125 : f32 to vector<8x16xf32>
    %add3A_127 = arith.addf %add3A_124, %add3A_126 : vector<8x16xf32>
    %sub3A_128 = arith.constant 0.00317382813 : f32
    %sub3A_129 = vector.broadcast %sub3A_128 : f32 to vector<8x16xf32>
    %sub3A_130 = arith.subf %div3A_19, %sub3A_129 : vector<8x16xf32>
    %integer_pow3A_131 = arith.mulf %sub3A_130, %sub3A_130 : vector<8x16xf32>
    %sub3A_132 = arith.constant 3.906250e-03 : f32
    %sub3A_133 = vector.broadcast %sub3A_132 : f32 to vector<8x16xf32>
    %sub3A_134 = arith.subf %div3A_24, %sub3A_133 : vector<8x16xf32>
    %integer_pow3A_135 = arith.mulf %sub3A_134, %sub3A_134 : vector<8x16xf32>
    %add3A_136 = arith.addf %integer_pow3A_131, %integer_pow3A_135 : vector<8x16xf32>
    %div3A_137 = arith.constant 4.000000e+00 : f32
    %div3A_138 = vector.broadcast %div3A_137 : f32 to vector<8x16xf32>
    %div3A_139 = arith.divf %add3A_136, %div3A_138 : vector<8x16xf32>
    %sub3A_140 = arith.constant 0.682316542 : f32
    %sub3A_141 = vector.broadcast %sub3A_140 : f32 to vector<8x16xf32>
    %sub3A_142 = arith.subf %sub3A_141, %select_n3A_87 : vector<8x16xf32>
    %integer_pow3A_143 = arith.mulf %sub3A_142, %sub3A_142 : vector<8x16xf32>
    %mul3A_144 = arith.constant 0.405284733 : f32
    %mul3A_145 = vector.broadcast %mul3A_144 : f32 to vector<8x16xf32>
    %mul3A_146 = arith.mulf %mul3A_145, %integer_pow3A_143 : vector<8x16xf32>
    %sub3A_147 = arith.constant 1.000000e+00 : f32
    %sub3A_148 = vector.broadcast %sub3A_147 : f32 to vector<8x16xf32>
    %sub3A_149 = arith.subf %sub3A_148, %div3A_117 : vector<8x16xf32>
    %add3A_150 = arith.addf %sub3A_149, %mul3A_146 : vector<8x16xf32>
    %eq3A_151 = arith.constant 0.000000e+00 : f32
    %eq3A_152 = vector.broadcast %eq3A_151 : f32 to vector<8x16xf32>
    %eq3A_153 = arith.cmpf oeq, %add3A_150, %eq3A_152 : vector<8x16xf32>
    %jit3A_154 = arith.constant 1.000000e-16 : f32
    %broadcast_in_dim3A_155 = vector.broadcast %jit3A_154 : f32 to vector<8x16xf32>
    %select_n3A_156 = arith.select %eq3A_153, %broadcast_in_dim3A_155, %add3A_150 : vector<8x16xi1>, vector<8x16xf32>
    %div3A_157 = arith.divf %mul3A_146, %select_n3A_156 : vector<8x16xf32>
    %div3A_158 = arith.divf %div3A_139, %add3A_127 : vector<8x16xf32>
    %sub3A_159 = arith.subf %div3A_117, %div3A_158 : vector<8x16xf32>
    %mul3A_160 = arith.mulf %div3A_157, %mul3A_146 : vector<8x16xf32>
    %sub3A_161 = arith.subf %sub3A_159, %mul3A_160 : vector<8x16xf32>
    %gt3A_162 = arith.cmpf ogt, %sub3A_161, %broadcast_in_dim3A_91 : vector<8x16xf32>
    %jit3A_163 = arith.constant 0 : i32
    %broadcast_in_dim3A_164 = vector.broadcast %jit3A_163 : i32 to vector<8x16xi32>
    %select_n3A_165 = arith.select %gt3A_162, %broadcast_in_dim3A_164, %broadcast_in_dim3A_89 : vector<8x16xi1>, vector<8x16xi32>
    %select_n3A_166 = arith.select %gt3A_162, %sub3A_161, %broadcast_in_dim3A_91 : vector<8x16xi1>, vector<8x16xf32>
    %min3A_167 = arith.constant 0.0068359375 : f32
    %min3A_168 = vector.broadcast %min3A_167 : f32 to vector<8x16xf32>
    %min3A_169 = arith.minimumf %div3A_19, %min3A_168 : vector<8x16xf32>
    %min3A_170 = arith.constant 7.812500e-03 : f32
    %min3A_171 = vector.broadcast %min3A_170 : f32 to vector<8x16xf32>
    %min3A_172 = arith.minimumf %div3A_24, %min3A_171 : vector<8x16xf32>
    %gt3A_173 = arith.constant 0.000000e+00 : f32
    %gt3A_174 = vector.broadcast %gt3A_173 : f32 to vector<8x16xf32>
    %gt3A_175 = arith.cmpf ogt, %min3A_169, %gt3A_174 : vector<8x16xf32>
    %gt3A_176 = arith.constant 0.000000e+00 : f32
    %gt3A_177 = vector.broadcast %gt3A_176 : f32 to vector<8x16xf32>
    %gt3A_178 = arith.cmpf ogt, %min3A_172, %gt3A_177 : vector<8x16xf32>
    %and3A_179 = arith.andi %gt3A_175, %gt3A_178 : vector<8x16xi1>
    %convert_element_type3A_180 = arith.extui %and3A_179 : vector<8x16xi1> to vector<8x16xi32>
    %convert_element_type3A_181 = arith.sitofp %convert_element_type3A_180 : vector<8x16xi32> to vector<8x16xf32>
    %mul3A_182 = arith.mulf %min3A_169, %min3A_172 : vector<8x16xf32>
    %mul3A_183 = arith.mulf %mul3A_182, %convert_element_type3A_181 : vector<8x16xf32>
    %add3A_184 = arith.constant 5.34057617E-5 : f32
    %add3A_185 = vector.broadcast %add3A_184 : f32 to vector<8x16xf32>
    %add3A_186 = arith.addf %mul3A, %add3A_185 : vector<8x16xf32>
    %sub3A_187 = arith.subf %add3A_186, %mul3A_183 : vector<8x16xf32>
    %eq3A_188 = arith.constant 0.000000e+00 : f32
    %eq3A_189 = vector.broadcast %eq3A_188 : f32 to vector<8x16xf32>
    %eq3A_190 = arith.cmpf oeq, %sub3A_187, %eq3A_189 : vector<8x16xf32>
    %jit3A_191 = arith.constant 1.000000e-16 : f32
    %broadcast_in_dim3A_192 = vector.broadcast %jit3A_191 : f32 to vector<8x16xf32>
    %select_n3A_193 = arith.select %eq3A_190, %broadcast_in_dim3A_192, %sub3A_187 : vector<8x16xi1>, vector<8x16xf32>
    %div3A_194 = arith.divf %mul3A_183, %select_n3A_193 : vector<8x16xf32>
    %max3A_195 = arith.constant 0.0068359375 : f32
    %max3A_196 = vector.broadcast %max3A_195 : f32 to vector<8x16xf32>
    %max3A_197 = arith.maximumf %div3A_19, %max3A_196 : vector<8x16xf32>
    %integer_pow3A_198 = arith.mulf %max3A_197, %max3A_197 : vector<8x16xf32>
    %max3A_199 = arith.constant 7.812500e-03 : f32
    %max3A_200 = vector.broadcast %max3A_199 : f32 to vector<8x16xf32>
    %max3A_201 = arith.maximumf %div3A_24, %max3A_200 : vector<8x16xf32>
    %integer_pow3A_202 = arith.mulf %max3A_201, %max3A_201 : vector<8x16xf32>
    %add3A_203 = arith.addf %integer_pow3A_198, %integer_pow3A_202 : vector<8x16xf32>
    %add3A_204 = arith.constant 1.000000e-16 : f32
    %add3A_205 = vector.broadcast %add3A_204 : f32 to vector<8x16xf32>
    %add3A_206 = arith.addf %add3A_203, %add3A_205 : vector<8x16xf32>
    %sub3A_207 = arith.constant 0.0068359375 : f32
    %sub3A_208 = vector.broadcast %sub3A_207 : f32 to vector<8x16xf32>
    %sub3A_209 = arith.subf %div3A_19, %sub3A_208 : vector<8x16xf32>
    %integer_pow3A_210 = arith.mulf %sub3A_209, %sub3A_209 : vector<8x16xf32>
    %sub3A_211 = arith.constant 7.812500e-03 : f32
    %sub3A_212 = vector.broadcast %sub3A_211 : f32 to vector<8x16xf32>
    %sub3A_213 = arith.subf %div3A_24, %sub3A_212 : vector<8x16xf32>
    %integer_pow3A_214 = arith.mulf %sub3A_213, %sub3A_213 : vector<8x16xf32>
    %add3A_215 = arith.addf %integer_pow3A_210, %integer_pow3A_214 : vector<8x16xf32>
    %div3A_216 = arith.constant 4.000000e+00 : f32
    %div3A_217 = vector.broadcast %div3A_216 : f32 to vector<8x16xf32>
    %div3A_218 = arith.divf %add3A_215, %div3A_217 : vector<8x16xf32>
    %sub3A_219 = arith.constant 7.188300e-01 : f32
    %sub3A_220 = vector.broadcast %sub3A_219 : f32 to vector<8x16xf32>
    %sub3A_221 = arith.subf %sub3A_220, %select_n3A_87 : vector<8x16xf32>
    %integer_pow3A_222 = arith.mulf %sub3A_221, %sub3A_221 : vector<8x16xf32>
    %mul3A_223 = arith.constant 0.405284733 : f32
    %mul3A_224 = vector.broadcast %mul3A_223 : f32 to vector<8x16xf32>
    %mul3A_225 = arith.mulf %mul3A_224, %integer_pow3A_222 : vector<8x16xf32>
    %sub3A_226 = arith.constant 1.000000e+00 : f32
    %sub3A_227 = vector.broadcast %sub3A_226 : f32 to vector<8x16xf32>
    %sub3A_228 = arith.subf %sub3A_227, %div3A_194 : vector<8x16xf32>
    %add3A_229 = arith.addf %sub3A_228, %mul3A_225 : vector<8x16xf32>
    %eq3A_230 = arith.constant 0.000000e+00 : f32
    %eq3A_231 = vector.broadcast %eq3A_230 : f32 to vector<8x16xf32>
    %eq3A_232 = arith.cmpf oeq, %add3A_229, %eq3A_231 : vector<8x16xf32>
    %jit3A_233 = arith.constant 1.000000e-16 : f32
    %broadcast_in_dim3A_234 = vector.broadcast %jit3A_233 : f32 to vector<8x16xf32>
    %select_n3A_235 = arith.select %eq3A_232, %broadcast_in_dim3A_234, %add3A_229 : vector<8x16xi1>, vector<8x16xf32>
    %div3A_236 = arith.divf %mul3A_225, %select_n3A_235 : vector<8x16xf32>
    %div3A_237 = arith.divf %div3A_218, %add3A_206 : vector<8x16xf32>
    %sub3A_238 = arith.subf %div3A_194, %div3A_237 : vector<8x16xf32>
    %mul3A_239 = arith.mulf %div3A_236, %mul3A_225 : vector<8x16xf32>
    %sub3A_240 = arith.subf %sub3A_238, %mul3A_239 : vector<8x16xf32>
    %gt3A_241 = arith.cmpf ogt, %sub3A_240, %select_n3A_166 : vector<8x16xf32>
    %jit3A_242 = arith.constant 1 : i32
    %broadcast_in_dim3A_243 = vector.broadcast %jit3A_242 : i32 to vector<8x16xi32>
    %select_n3A_244 = arith.select %gt3A_241, %broadcast_in_dim3A_243, %select_n3A_165 : vector<8x16xi1>, vector<8x16xi32>
    %select_n3A_245 = arith.select %gt3A_241, %sub3A_240, %select_n3A_166 : vector<8x16xi1>, vector<8x16xf32>
    %min3A_246 = arith.constant 0.0151367188 : f32
    %min3A_247 = vector.broadcast %min3A_246 : f32 to vector<8x16xf32>
    %min3A_248 = arith.minimumf %div3A_19, %min3A_247 : vector<8x16xf32>
    %min3A_249 = arith.constant 0.00854492188 : f32
    %min3A_250 = vector.broadcast %min3A_249 : f32 to vector<8x16xf32>
    %min3A_251 = arith.minimumf %div3A_24, %min3A_250 : vector<8x16xf32>
    %gt3A_252 = arith.constant 0.000000e+00 : f32
    %gt3A_253 = vector.broadcast %gt3A_252 : f32 to vector<8x16xf32>
    %gt3A_254 = arith.cmpf ogt, %min3A_248, %gt3A_253 : vector<8x16xf32>
    %gt3A_255 = arith.constant 0.000000e+00 : f32
    %gt3A_256 = vector.broadcast %gt3A_255 : f32 to vector<8x16xf32>
    %gt3A_257 = arith.cmpf ogt, %min3A_251, %gt3A_256 : vector<8x16xf32>
    %and3A_258 = arith.andi %gt3A_254, %gt3A_257 : vector<8x16xi1>
    %convert_element_type3A_259 = arith.extui %and3A_258 : vector<8x16xi1> to vector<8x16xi32>
    %convert_element_type3A_260 = arith.sitofp %convert_element_type3A_259 : vector<8x16xi32> to vector<8x16xf32>
    %mul3A_261 = arith.mulf %min3A_248, %min3A_251 : vector<8x16xf32>
    %mul3A_262 = arith.mulf %mul3A_261, %convert_element_type3A_260 : vector<8x16xf32>
    %add3A_263 = arith.constant 1.29342079E-4 : f32
    %add3A_264 = vector.broadcast %add3A_263 : f32 to vector<8x16xf32>
    %add3A_265 = arith.addf %mul3A, %add3A_264 : vector<8x16xf32>
    %sub3A_266 = arith.subf %add3A_265, %mul3A_262 : vector<8x16xf32>
    %eq3A_267 = arith.constant 0.000000e+00 : f32
    %eq3A_268 = vector.broadcast %eq3A_267 : f32 to vector<8x16xf32>
    %eq3A_269 = arith.cmpf oeq, %sub3A_266, %eq3A_268 : vector<8x16xf32>
    %jit3A_270 = arith.constant 1.000000e-16 : f32
    %broadcast_in_dim3A_271 = vector.broadcast %jit3A_270 : f32 to vector<8x16xf32>
    %select_n3A_272 = arith.select %eq3A_269, %broadcast_in_dim3A_271, %sub3A_266 : vector<8x16xi1>, vector<8x16xf32>
    %div3A_273 = arith.divf %mul3A_262, %select_n3A_272 : vector<8x16xf32>
    %max3A_274 = arith.constant 0.0151367188 : f32
    %max3A_275 = vector.broadcast %max3A_274 : f32 to vector<8x16xf32>
    %max3A_276 = arith.maximumf %div3A_19, %max3A_275 : vector<8x16xf32>
    %integer_pow3A_277 = arith.mulf %max3A_276, %max3A_276 : vector<8x16xf32>
    %max3A_278 = arith.constant 0.00854492188 : f32
    %max3A_279 = vector.broadcast %max3A_278 : f32 to vector<8x16xf32>
    %max3A_280 = arith.maximumf %div3A_24, %max3A_279 : vector<8x16xf32>
    %integer_pow3A_281 = arith.mulf %max3A_280, %max3A_280 : vector<8x16xf32>
    %add3A_282 = arith.addf %integer_pow3A_277, %integer_pow3A_281 : vector<8x16xf32>
    %add3A_283 = arith.constant 1.000000e-16 : f32
    %add3A_284 = vector.broadcast %add3A_283 : f32 to vector<8x16xf32>
    %add3A_285 = arith.addf %add3A_282, %add3A_284 : vector<8x16xf32>
    %sub3A_286 = arith.constant 0.0151367188 : f32
    %sub3A_287 = vector.broadcast %sub3A_286 : f32 to vector<8x16xf32>
    %sub3A_288 = arith.subf %div3A_19, %sub3A_287 : vector<8x16xf32>
    %integer_pow3A_289 = arith.mulf %sub3A_288, %sub3A_288 : vector<8x16xf32>
    %sub3A_290 = arith.constant 0.00854492188 : f32
    %sub3A_291 = vector.broadcast %sub3A_290 : f32 to vector<8x16xf32>
    %sub3A_292 = arith.subf %div3A_24, %sub3A_291 : vector<8x16xf32>
    %integer_pow3A_293 = arith.mulf %sub3A_292, %sub3A_292 : vector<8x16xf32>
    %add3A_294 = arith.addf %integer_pow3A_289, %integer_pow3A_293 : vector<8x16xf32>
    %div3A_295 = arith.constant 4.000000e+00 : f32
    %div3A_296 = vector.broadcast %div3A_295 : f32 to vector<8x16xf32>
    %div3A_297 = arith.divf %add3A_294, %div3A_296 : vector<8x16xf32>
    %sub3A_298 = arith.constant 1.05687666 : f32
    %sub3A_299 = vector.broadcast %sub3A_298 : f32 to vector<8x16xf32>
    %sub3A_300 = arith.subf %sub3A_299, %select_n3A_87 : vector<8x16xf32>
    %integer_pow3A_301 = arith.mulf %sub3A_300, %sub3A_300 : vector<8x16xf32>
    %mul3A_302 = arith.constant 0.405284733 : f32
    %mul3A_303 = vector.broadcast %mul3A_302 : f32 to vector<8x16xf32>
    %mul3A_304 = arith.mulf %mul3A_303, %integer_pow3A_301 : vector<8x16xf32>
    %sub3A_305 = arith.constant 1.000000e+00 : f32
    %sub3A_306 = vector.broadcast %sub3A_305 : f32 to vector<8x16xf32>
    %sub3A_307 = arith.subf %sub3A_306, %div3A_273 : vector<8x16xf32>
    %add3A_308 = arith.addf %sub3A_307, %mul3A_304 : vector<8x16xf32>
    %eq3A_309 = arith.constant 0.000000e+00 : f32
    %eq3A_310 = vector.broadcast %eq3A_309 : f32 to vector<8x16xf32>
    %eq3A_311 = arith.cmpf oeq, %add3A_308, %eq3A_310 : vector<8x16xf32>
    %jit3A_312 = arith.constant 1.000000e-16 : f32
    %broadcast_in_dim3A_313 = vector.broadcast %jit3A_312 : f32 to vector<8x16xf32>
    %select_n3A_314 = arith.select %eq3A_311, %broadcast_in_dim3A_313, %add3A_308 : vector<8x16xi1>, vector<8x16xf32>
    %div3A_315 = arith.divf %mul3A_304, %select_n3A_314 : vector<8x16xf32>
    %div3A_316 = arith.divf %div3A_297, %add3A_285 : vector<8x16xf32>
    %sub3A_317 = arith.subf %div3A_273, %div3A_316 : vector<8x16xf32>
    %mul3A_318 = arith.mulf %div3A_315, %mul3A_304 : vector<8x16xf32>
    %sub3A_319 = arith.subf %sub3A_317, %mul3A_318 : vector<8x16xf32>
    %gt3A_320 = arith.cmpf ogt, %sub3A_319, %select_n3A_245 : vector<8x16xf32>
    %jit3A_321 = arith.constant 2 : i32
    %broadcast_in_dim3A_322 = vector.broadcast %jit3A_321 : i32 to vector<8x16xi32>
    %select_n3A_323 = arith.select %gt3A_320, %broadcast_in_dim3A_322, %select_n3A_244 : vector<8x16xi1>, vector<8x16xi32>
    %eq3A_324 = arith.constant 0 : i32
    %eq3A_325 = vector.broadcast %eq3A_324 : i32 to vector<8x16xi32>
    %eq3A_326 = arith.cmpi eq, %select_n3A_323, %eq3A_325 : vector<8x16xi32>
    %eq3A_327 = arith.constant 1 : i32
    %eq3A_328 = vector.broadcast %eq3A_327 : i32 to vector<8x16xi32>
    %eq3A_329 = arith.cmpi eq, %select_n3A_323, %eq3A_328 : vector<8x16xi32>
    %jit3A_330 = arith.constant 0.0068359375 : f32
    %jit3A_331 = arith.constant 0.0151367188 : f32
    %broadcast_in_dim3A_332 = vector.broadcast %jit3A_330 : f32 to vector<8x16xf32>
    %broadcast_in_dim3A_333 = vector.broadcast %jit3A_331 : f32 to vector<8x16xf32>
    %select_n3A_334 = arith.select %eq3A_329, %broadcast_in_dim3A_332, %broadcast_in_dim3A_333 : vector<8x16xi1>, vector<8x16xf32>
    %jit3A_335 = arith.constant 0.00317382813 : f32
    %broadcast_in_dim3A_336 = vector.broadcast %jit3A_335 : f32 to vector<8x16xf32>
    %select_n3A_337 = arith.select %eq3A_326, %broadcast_in_dim3A_336, %select_n3A_334 : vector<8x16xi1>, vector<8x16xf32>
    %eq3A_338 = arith.constant 0 : i32
    %eq3A_339 = vector.broadcast %eq3A_338 : i32 to vector<8x16xi32>
    %eq3A_340 = arith.cmpi eq, %select_n3A_323, %eq3A_339 : vector<8x16xi32>
    %eq3A_341 = arith.constant 1 : i32
    %eq3A_342 = vector.broadcast %eq3A_341 : i32 to vector<8x16xi32>
    %eq3A_343 = arith.cmpi eq, %select_n3A_323, %eq3A_342 : vector<8x16xi32>
    %jit3A_344 = arith.constant 7.812500e-03 : f32
    %jit3A_345 = arith.constant 0.00854492188 : f32
    %broadcast_in_dim3A_346 = vector.broadcast %jit3A_344 : f32 to vector<8x16xf32>
    %broadcast_in_dim3A_347 = vector.broadcast %jit3A_345 : f32 to vector<8x16xf32>
    %select_n3A_348 = arith.select %eq3A_343, %broadcast_in_dim3A_346, %broadcast_in_dim3A_347 : vector<8x16xi1>, vector<8x16xf32>
    %jit3A_349 = arith.constant 3.906250e-03 : f32
    %broadcast_in_dim3A_350 = vector.broadcast %jit3A_349 : f32 to vector<8x16xf32>
    %select_n3A_351 = arith.select %eq3A_340, %broadcast_in_dim3A_350, %select_n3A_348 : vector<8x16xi1>, vector<8x16xf32>
    %convert_element_type3A_352 = arith.sitofp %convert_element_type3A_27 : vector<8x16xi32> to vector<8x16xf32>
    %sub3A_353 = arith.subf %div3A_6, %convert_element_type3A_352 : vector<8x16xf32>
    %div3A_354 = arith.constant 4.096000e+03 : f32
    %div3A_355 = vector.broadcast %div3A_354 : f32 to vector<8x16xf32>
    %div3A_356 = arith.divf %mul3A, %div3A_355 : vector<8x16xf32>
    %sub3A_357 = arith.constant 2.000000e+00 : f32
    %sub3A_358 = vector.broadcast %sub3A_357 : f32 to vector<8x16xf32>
    %sub3A_359 = arith.subf %sub3A_358, %div3A_356 : vector<8x16xf32>
    %sqrt3A = math.sqrt %sub3A_359 : vector<8x16xf32>
    %div3A_360 = arith.divf %div3A_19, %select_n3A_337 : vector<8x16xf32>
    %add3A_361 = arith.constant 1.000000e-16 : f32
    %add3A_362 = vector.broadcast %add3A_361 : f32 to vector<8x16xf32>
    %add3A_363 = arith.addf %div3A_360, %add3A_362 : vector<8x16xf32>
    %log3A = math.log %add3A_363 : vector<8x16xf32>
    %div3A_364 = arith.divf %div3A_24, %select_n3A_351 : vector<8x16xf32>
    %add3A_365 = arith.constant 1.000000e-16 : f32
    %add3A_366 = vector.broadcast %add3A_365 : f32 to vector<8x16xf32>
    %add3A_367 = arith.addf %div3A_364, %add3A_366 : vector<8x16xf32>
    %log3A_368 = math.log %add3A_367 : vector<8x16xf32>
    %swap3A = arith.constant 0 : index
    %swap3A_369 = arith.constant 0 : index
    %swap3A_370 = arith.constant 0 : index
    %swap3A_371 = vector.load %arg1[%swap3A, %swap3A_369, %swap3A_370] : memref<8x8x16xf32, #tpu.memory_space<vmem>>, vector<8x1x16xf32>
    %swap3A_372 = vector.shape_cast %swap3A_371 : vector<8x1x16xf32> to vector<8x16xf32>
    %swap3A_373 = vector.shape_cast %div3A_6 : vector<8x16xf32> to vector<8x1x16xf32>
    tpu.vector_store %arg1[%swap3A, %swap3A_369, %swap3A_370], %swap3A_373 {strides = array<i32>} : memref<8x8x16xf32, #tpu.memory_space<vmem>>, vector<8x1x16xf32>,
    %swap3A_374 = arith.constant 0 : index
    %swap3A_375 = arith.constant 1 : index
    %swap3A_376 = arith.constant 0 : index
    %swap3A_377 = vector.load %arg1[%swap3A_374, %swap3A_375, %swap3A_376] : memref<8x8x16xf32, #tpu.memory_space<vmem>>, vector<8x1x16xf32>
    %swap3A_378 = vector.shape_cast %swap3A_377 : vector<8x1x16xf32> to vector<8x16xf32>
    %swap3A_379 = vector.shape_cast %div3A_14 : vector<8x16xf32> to vector<8x1x16xf32>
    tpu.vector_store %arg1[%swap3A_374, %swap3A_375, %swap3A_376], %swap3A_379 {strides = array<i32>} : memref<8x8x16xf32, #tpu.memory_space<vmem>>, vector<8x1x16xf32>,
    %swap3A_380 = arith.constant 0 : index
    %swap3A_381 = arith.constant 2 : index
    %swap3A_382 = arith.constant 0 : index
    %swap3A_383 = vector.load %arg1[%swap3A_380, %swap3A_381, %swap3A_382] : memref<8x8x16xf32, #tpu.memory_space<vmem>>, vector<8x1x16xf32>
    %swap3A_384 = vector.shape_cast %swap3A_383 : vector<8x1x16xf32> to vector<8x16xf32>
    %swap3A_385 = vector.shape_cast %div3A_19 : vector<8x16xf32> to vector<8x1x16xf32>
    tpu.vector_store %arg1[%swap3A_380, %swap3A_381, %swap3A_382], %swap3A_385 {strides = array<i32>} : memref<8x8x16xf32, #tpu.memory_space<vmem>>, vector<8x1x16xf32>,
    %swap3A_386 = arith.constant 0 : index
    %swap3A_387 = arith.constant 3 : index
    %swap3A_388 = arith.constant 0 : index
    %swap3A_389 = vector.load %arg1[%swap3A_386, %swap3A_387, %swap3A_388] : memref<8x8x16xf32, #tpu.memory_space<vmem>>, vector<8x1x16xf32>
    %swap3A_390 = vector.shape_cast %swap3A_389 : vector<8x1x16xf32> to vector<8x16xf32>
    %swap3A_391 = vector.shape_cast %div3A_24 : vector<8x16xf32> to vector<8x1x16xf32>
    tpu.vector_store %arg1[%swap3A_386, %swap3A_387, %swap3A_388], %swap3A_391 {strides = array<i32>} : memref<8x8x16xf32, #tpu.memory_space<vmem>>, vector<8x1x16xf32>,
    %swap3A_392 = arith.constant 0 : index
    %swap3A_393 = arith.constant 4 : index
    %swap3A_394 = arith.constant 0 : index
    %swap3A_395 = vector.load %arg1[%swap3A_392, %swap3A_393, %swap3A_394] : memref<8x8x16xf32, #tpu.memory_space<vmem>>, vector<8x1x16xf32>
    %swap3A_396 = vector.shape_cast %swap3A_395 : vector<8x1x16xf32> to vector<8x16xf32>
    %swap3A_397 = vector.shape_cast %sqrt3A : vector<8x16xf32> to vector<8x1x16xf32>
    tpu.vector_store %arg1[%swap3A_392, %swap3A_393, %swap3A_394], %swap3A_397 {strides = array<i32>} : memref<8x8x16xf32, #tpu.memory_space<vmem>>, vector<8x1x16xf32>,
    %swap3A_398 = arith.constant 0 : index
    %swap3A_399 = arith.constant 5 : index
    %swap3A_400 = arith.constant 0 : index
    %swap3A_401 = vector.load %arg1[%swap3A_398, %swap3A_399, %swap3A_400] : memref<8x8x16xf32, #tpu.memory_space<vmem>>, vector<8x1x16xf32>
    %swap3A_402 = vector.shape_cast %swap3A_401 : vector<8x1x16xf32> to vector<8x16xf32>
    %swap3A_403 = vector.shape_cast %log3A : vector<8x16xf32> to vector<8x1x16xf32>
    tpu.vector_store %arg1[%swap3A_398, %swap3A_399, %swap3A_400], %swap3A_403 {strides = array<i32>} : memref<8x8x16xf32, #tpu.memory_space<vmem>>, vector<8x1x16xf32>,
    %swap3A_404 = arith.constant 0 : index
    %swap3A_405 = arith.constant 6 : index
    %swap3A_406 = arith.constant 0 : index
    %swap3A_407 = vector.load %arg1[%swap3A_404, %swap3A_405, %swap3A_406] : memref<8x8x16xf32, #tpu.memory_space<vmem>>, vector<8x1x16xf32>
    %swap3A_408 = vector.shape_cast %swap3A_407 : vector<8x1x16xf32> to vector<8x16xf32>
    %swap3A_409 = vector.shape_cast %log3A_368 : vector<8x16xf32> to vector<8x1x16xf32>
    tpu.vector_store %arg1[%swap3A_404, %swap3A_405, %swap3A_406], %swap3A_409 {strides = array<i32>} : memref<8x8x16xf32, #tpu.memory_space<vmem>>, vector<8x1x16xf32>,
    %swap3A_410 = arith.constant 0 : index
    %swap3A_411 = arith.constant 7 : index
    %swap3A_412 = arith.constant 0 : index
    %swap3A_413 = vector.load %arg1[%swap3A_410, %swap3A_411, %swap3A_412] : memref<8x8x16xf32, #tpu.memory_space<vmem>>, vector<8x1x16xf32>
    %swap3A_414 = vector.shape_cast %swap3A_413 : vector<8x1x16xf32> to vector<8x16xf32>
    %swap3A_415 = vector.shape_cast %sub3A_353 : vector<8x16xf32> to vector<8x1x16xf32>
    tpu.vector_store %arg1[%swap3A_410, %swap3A_411, %swap3A_412], %swap3A_415 {strides = array<i32>} : memref<8x8x16xf32, #tpu.memory_space<vmem>>, vector<8x1x16xf32>,
    %swap3A_416 = arith.constant 0 : index
    %swap3A_417 = arith.constant 0 : index
    %swap3A_418 = arith.constant 0 : index
    %swap3A_419 = vector.load %arg2[%swap3A_416, %swap3A_417, %swap3A_418] : memref<8x4x16xi32, #tpu.memory_space<vmem>>, vector<8x1x16xi32>
    %swap3A_420 = vector.shape_cast %swap3A_419 : vector<8x1x16xi32> to vector<8x16xi32>
    %swap3A_421 = vector.shape_cast %convert_element_type3A_27 : vector<8x16xi32> to vector<8x1x16xi32>
    tpu.vector_store %arg2[%swap3A_416, %swap3A_417, %swap3A_418], %swap3A_421 {strides = array<i32>} : memref<8x4x16xi32, #tpu.memory_space<vmem>>, vector<8x1x16xi32>,
    %swap3A_422 = arith.constant 0 : index
    %swap3A_423 = arith.constant 1 : index
    %swap3A_424 = arith.constant 0 : index
    %swap3A_425 = vector.load %arg2[%swap3A_422, %swap3A_423, %swap3A_424] : memref<8x4x16xi32, #tpu.memory_space<vmem>>, vector<8x1x16xi32>
    %swap3A_426 = vector.shape_cast %swap3A_425 : vector<8x1x16xi32> to vector<8x16xi32>
    %swap3A_427 = vector.shape_cast %convert_element_type3A_28 : vector<8x16xi32> to vector<8x1x16xi32>
    tpu.vector_store %arg2[%swap3A_422, %swap3A_423, %swap3A_424], %swap3A_427 {strides = array<i32>} : memref<8x4x16xi32, #tpu.memory_space<vmem>>, vector<8x1x16xi32>,
    %swap3A_428 = arith.constant 0 : index
    %swap3A_429 = arith.constant 2 : index
    %swap3A_430 = arith.constant 0 : index
    %swap3A_431 = vector.load %arg2[%swap3A_428, %swap3A_429, %swap3A_430] : memref<8x4x16xi32, #tpu.memory_space<vmem>>, vector<8x1x16xi32>
    %swap3A_432 = vector.shape_cast %swap3A_431 : vector<8x1x16xi32> to vector<8x16xi32>
    %swap3A_433 = vector.shape_cast %select_n3A_323 : vector<8x16xi32> to vector<8x1x16xi32>
    tpu.vector_store %arg2[%swap3A_428, %swap3A_429, %swap3A_430], %swap3A_433 {strides = array<i32>} : memref<8x4x16xi32, #tpu.memory_space<vmem>>, vector<8x1x16xi32>,
    %swap3A_434 = arith.constant 0 : index
    %swap3A_435 = arith.constant 3 : index
    %swap3A_436 = arith.constant 0 : index
    %swap3A_437 = vector.load %arg2[%swap3A_434, %swap3A_435, %swap3A_436] : memref<8x4x16xi32, #tpu.memory_space<vmem>>, vector<8x1x16xi32>
    %swap3A_438 = vector.shape_cast %swap3A_437 : vector<8x1x16xi32> to vector<8x16xi32>
    %swap3A_439 = vector.shape_cast %convert_element_type3A : vector<8x16xi32> to vector<8x1x16xi32>
    tpu.vector_store %arg2[%swap3A_434, %swap3A_435, %swap3A_436], %swap3A_439 {strides = array<i32>} : memref<8x4x16xi32, #tpu.memory_space<vmem>>, vector<8x1x16xi32>,
    %iota3A = tpu.iota {dimensions = array<i32: 0>} : vector<8x16xi32>
    %mul3A_440 = arith.constant 255 : i32
    %mul3A_441 = vector.broadcast %mul3A_440 : i32 to vector<8x16xi32>
    %mul3A_442 = arith.muli %iota3A, %mul3A_441 : vector<8x16xi32>
    %mul3A_443 = arith.constant 85 : i32
    %mul3A_444 = vector.broadcast %mul3A_443 : i32 to vector<8x16xi32>
    %mul3A_445 = arith.muli %select_n3A_323, %mul3A_444 : vector<8x16xi32>
    %add3A_446 = arith.addi %mul3A_442, %mul3A_445 : vector<8x16xi32>
    %mul3A_447 = arith.constant 8192 : i32
    %mul3A_448 = vector.broadcast %mul3A_447 : i32 to vector<8x16xi32>
    %mul3A_449 = arith.muli %add3A_446, %mul3A_448 : vector<8x16xi32>
    %mul3A_450 = arith.constant 128 : i32
    %mul3A_451 = vector.broadcast %mul3A_450 : i32 to vector<8x16xi32>
    %mul3A_452 = arith.muli %convert_element_type3A_28, %mul3A_451 : vector<8x16xi32>
    %add3A_453 = arith.addi %mul3A_449, %mul3A_452 : vector<8x16xi32>
    %add3A_454 = arith.addi %add3A_453, %convert_element_type3A_27 : vector<8x16xi32>
    %iota3A_455 = tpu.iota {dimensions = array<i32: 2>} : vector<8x16x88xi32>
    %min3A_456 = arith.constant 84 : i32
    %min3A_457 = vector.broadcast %min3A_456 : i32 to vector<8x16x88xi32>
    %min3A_458 = arith.minsi %iota3A_455, %min3A_457 : vector<8x16x88xi32>
    %mul3A_459 = arith.constant 8192 : i32
    %mul3A_460 = vector.broadcast %mul3A_459 : i32 to vector<8x16x88xi32>
    %mul3A_461 = arith.muli %min3A_458, %mul3A_460 : vector<8x16x88xi32>
    %broadcast_in_dim3A_462 = vector.shape_cast %add3A_454 : vector<8x16xi32> to vector<8x16x1xi32>
    %add3A_463 = vector.broadcast %broadcast_in_dim3A_462 : vector<8x16x1xi32> to vector<8x16x88xi32>
    %add3A_464 = arith.addi %add3A_463, %mul3A_461 : vector<8x16x88xi32>
    %swap3A_465 = arith.constant 0 : index
    %swap3A_466 = arith.constant 0 : index
    %swap3A_467 = arith.constant 0 : index
    %swap3A_468 = vector.load %arg3[%swap3A_465, %swap3A_466, %swap3A_467] : memref<8x16x88xi32, #tpu.memory_space<vmem>>, vector<8x16x88xi32>
    tpu.vector_store %arg3[%swap3A_465, %swap3A_466, %swap3A_467], %add3A_464 {strides = array<i32>} : memref<8x16x88xi32, #tpu.memory_space<vmem>>, vector<8x16x88xi32>,
    return
  }
}

module attributes {stable_mosaic.version = 14 : i64} {
  func.func @body(%arg0: i32, %arg1: memref<8x8x16xf32, #tpu.memory_space<smem>>, %arg2: memref<8x4x16xi32, #tpu.memory_space<smem>>, %arg3: memref<1x1x85x64x64xf32, #tpu.memory_space<vmem>>, %arg4: memref<1x128xf32, #tpu.memory_space<vmem>>, %arg5: memref<1x85x64x128xf32, #tpu.memory_space<vmem>>) attributes {dimension_semantics = [#tpu.dimension_semantics<arbitrary>], iteration_bounds = array<i64: 24>, scalar_prefetch = 0 : i64, scratch_operands = 0 : i64, tpu.core_type = #tpu.core_type<tc>, window_params = [{transform_indices = @transform_0, window_bounds = array<i64: 8, 8, 16>}, {transform_indices = @transform_1, window_bounds = array<i64: 8, 4, 16>}, {transform_indices = @transform_2, window_bounds = array<i64: 1, 1, 85, 64, 64>}, {pipeline_mode = #tpu.pipeline_mode<synchronous>, transform_indices = @transform_3, window_bounds = array<i64: 1, 128>}, {transform_indices = @transform_4, window_bounds = array<i64: 1, 85, 64, 128>}]} {
    %jit3A = arith.constant 3 : i32
    %div3A = arith.divsi %arg0, %jit3A : i32
    %sign3A = arith.constant 0 : i32
    %sign3A_0 = arith.cmpi sgt, %arg0, %sign3A : i32
    %sign3A_1 = arith.extui %sign3A_0 : i1 to i32
    %sign3A_2 = arith.constant 0 : i32
    %sign3A_3 = arith.cmpi slt, %arg0, %sign3A_2 : i32
    %sign3A_4 = arith.extui %sign3A_3 : i1 to i32
    %sign3A_5 = arith.subi %sign3A_1, %sign3A_4 : i32
    %sign3A_6 = arith.constant 0 : i32
    %sign3A_7 = arith.cmpi sgt, %jit3A, %sign3A_6 : i32
    %sign3A_8 = arith.extui %sign3A_7 : i1 to i32
    %sign3A_9 = arith.constant 0 : i32
    %sign3A_10 = arith.cmpi slt, %jit3A, %sign3A_9 : i32
    %sign3A_11 = arith.extui %sign3A_10 : i1 to i32
    %sign3A_12 = arith.subi %sign3A_8, %sign3A_11 : i32
    %ne3A = arith.cmpi ne, %sign3A_5, %sign3A_12 : i32
    %rem3A = arith.remsi %arg0, %jit3A : i32
    %ne3A_13 = arith.constant 0 : i32
    %ne3A_14 = arith.cmpi ne, %rem3A, %ne3A_13 : i32
    %and3A = arith.andi %ne3A, %ne3A_14 : i1
    %sub3A = arith.constant 1 : i32
    %sub3A_15 = arith.subi %div3A, %sub3A : i32
    %select_n3A = arith.select %and3A, %sub3A_15, %div3A : i32
    %jit3A_16 = arith.constant 3 : i32
    %eq3A = arith.constant 0 : i32
    %eq3A_17 = arith.cmpi eq, %jit3A_16, %eq3A : i32
    %jit3A_18 = arith.constant 1 : i32
    %select_n3A_19 = arith.select %eq3A_17, %jit3A_18, %jit3A_16 : i32
    %rem3A_20 = arith.remsi %arg0, %select_n3A_19 : i32
    %ne3A_21 = arith.constant 0 : i32
    %ne3A_22 = arith.cmpi ne, %rem3A_20, %ne3A_21 : i32
    %lt3A = arith.constant 0 : i32
    %lt3A_23 = arith.cmpi slt, %rem3A_20, %lt3A : i32
    %lt3A_24 = arith.constant 0 : i32
    %lt3A_25 = arith.cmpi slt, %select_n3A_19, %lt3A_24 : i32
    %ne3A_26 = arith.xori %lt3A_23, %lt3A_25 : i1
    %and3A_27 = arith.andi %ne3A_26, %ne3A_22 : i1
    %add3A = arith.addi %rem3A_20, %select_n3A_19 : i32
    %select_n3A_28 = arith.select %and3A_27, %add3A, %rem3A_20 : i32
    %eq3A_29 = arith.constant 0 : i32
    %eq3A_30 = arith.cmpi eq, %arg0, %eq3A_29 : i32
    %convert_element_type3A = arith.extui %eq3A_30 : i1 to i32
    %cond3A = arith.constant 0 : i32
    %cond3A_31 = arith.cmpi ne, %convert_element_type3A, %cond3A : i32
    scf.if %cond3A_31 {
      %broadcast_in_dim3A_1276 = arith.constant 0.000000e+00 : f32
      %broadcast_in_dim3A_1277 = vector.broadcast %broadcast_in_dim3A_1276 : f32 to vector<1x128xf32>
      %swap3A_1278 = arith.constant 0 : index
      %swap3A_1279 = arith.constant 0 : index
      %swap3A_1280 = vector.load %arg4[%swap3A_1278, %swap3A_1279] : memref<1x128xf32, #tpu.memory_space<vmem>>, vector<1x128xf32>
      tpu.vector_store %arg4[%swap3A_1278, %swap3A_1279], %broadcast_in_dim3A_1277 {strides = array<i32>} : memref<1x128xf32, #tpu.memory_space<vmem>>, vector<1x128xf32>,
    } else {
    }
    %get3A = arith.constant 0 : index
    %get3A_32 = arith.constant 0 : index
    %get3A_33 = arith.constant 0 : index
    %get3A_34 = arith.constant 0 : index
    %get3A_35 = arith.constant 0 : index
    %get3A_36 = vector.load %arg3[%get3A, %get3A_32, %get3A_33, %get3A_34, %get3A_35] : memref<1x1x85x64x64xf32, #tpu.memory_space<vmem>>, vector<1x1x85x64x64xf32>
    %get3A_37 = vector.shape_cast %get3A_36 : vector<1x1x85x64x64xf32> to vector<85x64x64xf32>
    %swap3A = arith.constant 0 : index
    %swap3A_38 = arith.constant 0 : index
    %swap3A_39 = arith.constant 0 : index
    %swap3A_40 = arith.constant 0 : index
    %swap3A_41 = vector.load %arg5[%swap3A, %swap3A_38, %swap3A_39, %swap3A_40] : memref<1x85x64x128xf32, #tpu.memory_space<vmem>>, vector<1x85x64x64xf32>
    %swap3A_42 = vector.shape_cast %swap3A_41 : vector<1x85x64x64xf32> to vector<85x64x64xf32>
    %swap3A_43 = vector.shape_cast %get3A_37 : vector<85x64x64xf32> to vector<1x85x64x64xf32>
    tpu.vector_store %arg5[%swap3A, %swap3A_38, %swap3A_39, %swap3A_40], %swap3A_43 {strides = array<i32>} : memref<1x85x64x128xf32, #tpu.memory_space<vmem>>, vector<1x85x64x64xf32>,
    %slice3A = vector.extract_strided_slice %get3A_37 {offsets = [0, 0, 0], sizes = [5, 64, 64], strides = [1, 1, 1]} : vector<85x64x64xf32> to vector<5x64x64xf32>
    %iota3A = tpu.iota {dimensions = array<i32: 0>} : vector<64x64xi32>
    %iota3A_44 = tpu.iota {dimensions = array<i32: 1>} : vector<64x64xi32>
    %eq3A_45 = arith.constant 0 : i32
    %eq3A_46 = arith.cmpi eq, %select_n3A_28, %eq3A_45 : i32
    %eq3A_47 = arith.constant 1 : i32
    %eq3A_48 = arith.cmpi eq, %select_n3A_28, %eq3A_47 : i32
    %jit3A_49 = arith.constant 0.0068359375 : f32
    %jit3A_50 = arith.constant 0.0151367188 : f32
    %select_n3A_51 = arith.select %eq3A_48, %jit3A_49, %jit3A_50 : f32
    %jit3A_52 = arith.constant 0.00317382813 : f32
    %select_n3A_53 = arith.select %eq3A_46, %jit3A_52, %select_n3A_51 : f32
    %eq3A_54 = arith.constant 0 : i32
    %eq3A_55 = arith.cmpi eq, %select_n3A_28, %eq3A_54 : i32
    %eq3A_56 = arith.constant 1 : i32
    %eq3A_57 = arith.cmpi eq, %select_n3A_28, %eq3A_56 : i32
    %jit3A_58 = arith.constant 7.812500e-03 : f32
    %jit3A_59 = arith.constant 0.00854492188 : f32
    %select_n3A_60 = arith.select %eq3A_57, %jit3A_58, %jit3A_59 : f32
    %jit3A_61 = arith.constant 3.906250e-03 : f32
    %select_n3A_62 = arith.select %eq3A_55, %jit3A_61, %select_n3A_60 : f32
    %slice3A_63 = vector.extract_strided_slice %slice3A {offsets = [0, 0, 0], sizes = [1, 64, 64], strides = [1, 1, 1]} : vector<5x64x64xf32> to vector<1x64x64xf32>
    %squeeze3A = vector.shape_cast %slice3A_63 : vector<1x64x64xf32> to vector<64x64xf32>
    %logistic3A = arith.negf %squeeze3A : vector<64x64xf32>
    %logistic3A_64 = math.exp %logistic3A : vector<64x64xf32>
    %logistic3A_65 = arith.constant 1.000000e+00 : f32
    %logistic3A_66 = vector.broadcast %logistic3A_65 : f32 to vector<64x64xf32>
    %logistic3A_67 = arith.addf %logistic3A_66, %logistic3A_64 : vector<64x64xf32>
    %logistic3A_68 = arith.divf %logistic3A_66, %logistic3A_67 : vector<64x64xf32>
    %slice3A_69 = vector.extract_strided_slice %slice3A {offsets = [1, 0, 0], sizes = [1, 64, 64], strides = [1, 1, 1]} : vector<5x64x64xf32> to vector<1x64x64xf32>
    %squeeze3A_70 = vector.shape_cast %slice3A_69 : vector<1x64x64xf32> to vector<64x64xf32>
    %logistic3A_71 = arith.negf %squeeze3A_70 : vector<64x64xf32>
    %logistic3A_72 = math.exp %logistic3A_71 : vector<64x64xf32>
    %logistic3A_73 = arith.constant 1.000000e+00 : f32
    %logistic3A_74 = vector.broadcast %logistic3A_73 : f32 to vector<64x64xf32>
    %logistic3A_75 = arith.addf %logistic3A_74, %logistic3A_72 : vector<64x64xf32>
    %logistic3A_76 = arith.divf %logistic3A_74, %logistic3A_75 : vector<64x64xf32>
    %convert_element_type3A_77 = arith.sitofp %iota3A_44 : vector<64x64xi32> to vector<64x64xf32>
    %add3A_78 = arith.addf %logistic3A_68, %convert_element_type3A_77 : vector<64x64xf32>
    %convert_element_type3A_79 = arith.sitofp %iota3A : vector<64x64xi32> to vector<64x64xf32>
    %add3A_80 = arith.addf %logistic3A_76, %convert_element_type3A_79 : vector<64x64xf32>
    %slice3A_81 = vector.extract_strided_slice %slice3A {offsets = [2, 0, 0], sizes = [1, 64, 64], strides = [1, 1, 1]} : vector<5x64x64xf32> to vector<1x64x64xf32>
    %squeeze3A_82 = vector.shape_cast %slice3A_81 : vector<1x64x64xf32> to vector<64x64xf32>
    %mul3A = vector.broadcast %select_n3A_53 : f32 to vector<64x64xf32>
    %mul3A_83 = arith.mulf %squeeze3A_82, %mul3A : vector<64x64xf32>
    %exp3A = math.exp %mul3A_83 : vector<64x64xf32>
    %slice3A_84 = vector.extract_strided_slice %slice3A {offsets = [3, 0, 0], sizes = [1, 64, 64], strides = [1, 1, 1]} : vector<5x64x64xf32> to vector<1x64x64xf32>
    %squeeze3A_85 = vector.shape_cast %slice3A_84 : vector<1x64x64xf32> to vector<64x64xf32>
    %mul3A_86 = vector.broadcast %select_n3A_62 : f32 to vector<64x64xf32>
    %mul3A_87 = arith.mulf %squeeze3A_85, %mul3A_86 : vector<64x64xf32>
    %exp3A_88 = math.exp %mul3A_87 : vector<64x64xf32>
    %slice3A_89 = vector.extract_strided_slice %slice3A {offsets = [4, 0, 0], sizes = [1, 64, 64], strides = [1, 1, 1]} : vector<5x64x64xf32> to vector<1x64x64xf32>
    %squeeze3A_90 = vector.shape_cast %slice3A_89 : vector<1x64x64xf32> to vector<64x64xf32>
    %logistic3A_91 = arith.negf %squeeze3A_90 : vector<64x64xf32>
    %logistic3A_92 = math.exp %logistic3A_91 : vector<64x64xf32>
    %logistic3A_93 = arith.constant 1.000000e+00 : f32
    %logistic3A_94 = vector.broadcast %logistic3A_93 : f32 to vector<64x64xf32>
    %logistic3A_95 = arith.addf %logistic3A_94, %logistic3A_92 : vector<64x64xf32>
    %logistic3A_96 = arith.divf %logistic3A_94, %logistic3A_95 : vector<64x64xf32>
    %sub3A_97 = arith.subf %exp3A, %add3A_78 : vector<64x64xf32>
    %sub3A_98 = arith.subf %exp3A_88, %add3A_80 : vector<64x64xf32>
    %mul3A_99 = arith.mulf %sub3A_97, %sub3A_98 : vector<64x64xf32>
    %broadcast_in_dim3A = arith.constant 0.000000e+00 : f32
    %broadcast_in_dim3A_100 = vector.broadcast %broadcast_in_dim3A : f32 to vector<64x64xf32>
    %broadcast_in_dim3A_101 = arith.constant false
    %broadcast_in_dim3A_102 = vector.broadcast %broadcast_in_dim3A_101 : i1 to vector<64x64xi1>
    %get3A_103 = arith.index_cast %select_n3A : i32 to index
    %get3A_104 = arith.constant 0 : index
    %get3A_105 = arith.constant 0 : index
    %get3A_106 = memref.load %arg1[%get3A_103, %get3A_104, %get3A_105] : memref<8x8x16xf32, #tpu.memory_space<smem>>
    %get3A_107 = arith.index_cast %select_n3A : i32 to index
    %get3A_108 = arith.constant 1 : index
    %get3A_109 = arith.constant 0 : index
    %get3A_110 = memref.load %arg1[%get3A_107, %get3A_108, %get3A_109] : memref<8x8x16xf32, #tpu.memory_space<smem>>
    %get3A_111 = arith.index_cast %select_n3A : i32 to index
    %get3A_112 = arith.constant 2 : index
    %get3A_113 = arith.constant 0 : index
    %get3A_114 = memref.load %arg1[%get3A_111, %get3A_112, %get3A_113] : memref<8x8x16xf32, #tpu.memory_space<smem>>
    %get3A_115 = arith.index_cast %select_n3A : i32 to index
    %get3A_116 = arith.constant 3 : index
    %get3A_117 = arith.constant 0 : index
    %get3A_118 = memref.load %arg1[%get3A_115, %get3A_116, %get3A_117] : memref<8x8x16xf32, #tpu.memory_space<smem>>
    %max3A = vector.broadcast %get3A_106 : f32 to vector<64x64xf32>
    %max3A_119 = arith.maximumf %add3A_78, %max3A : vector<64x64xf32>
    %max3A_120 = vector.broadcast %get3A_110 : f32 to vector<64x64xf32>
    %max3A_121 = arith.maximumf %add3A_80, %max3A_120 : vector<64x64xf32>
    %min3A = vector.broadcast %get3A_114 : f32 to vector<64x64xf32>
    %min3A_122 = arith.minimumf %exp3A, %min3A : vector<64x64xf32>
    %min3A_123 = vector.broadcast %get3A_118 : f32 to vector<64x64xf32>
    %min3A_124 = arith.minimumf %exp3A_88, %min3A_123 : vector<64x64xf32>
    %lt3A_125 = arith.cmpf olt, %max3A_119, %min3A_122 : vector<64x64xf32>
    %lt3A_126 = arith.cmpf olt, %max3A_121, %min3A_124 : vector<64x64xf32>
    %and3A_127 = arith.andi %lt3A_125, %lt3A_126 : vector<64x64xi1>
    %convert_element_type3A_128 = arith.extui %and3A_127 : vector<64x64xi1> to vector<64x64xi32>
    %convert_element_type3A_129 = arith.sitofp %convert_element_type3A_128 : vector<64x64xi32> to vector<64x64xf32>
    %sub3A_130 = arith.subf %min3A_122, %max3A_119 : vector<64x64xf32>
    %sub3A_131 = arith.subf %min3A_124, %max3A_121 : vector<64x64xf32>
    %mul3A_132 = arith.mulf %sub3A_130, %sub3A_131 : vector<64x64xf32>
    %mul3A_133 = arith.mulf %mul3A_132, %convert_element_type3A_129 : vector<64x64xf32>
    %sub3A_134 = arith.subf %get3A_114, %get3A_106 : f32
    %sub3A_135 = arith.subf %get3A_118, %get3A_110 : f32
    %mul3A_136 = arith.mulf %sub3A_134, %sub3A_135 : f32
    %add3A_137 = vector.broadcast %mul3A_136 : f32 to vector<64x64xf32>
    %add3A_138 = arith.addf %mul3A_99, %add3A_137 : vector<64x64xf32>
    %sub3A_139 = arith.subf %add3A_138, %mul3A_133 : vector<64x64xf32>
    %eq3A_140 = arith.constant 0.000000e+00 : f32
    %eq3A_141 = vector.broadcast %eq3A_140 : f32 to vector<64x64xf32>
    %eq3A_142 = arith.cmpf oeq, %sub3A_139, %eq3A_141 : vector<64x64xf32>
    %jit3A_143 = arith.constant 1.000000e-16 : f32
    %broadcast_in_dim3A_144 = vector.broadcast %jit3A_143 : f32 to vector<64x64xf32>
    %select_n3A_145 = arith.select %eq3A_142, %broadcast_in_dim3A_144, %sub3A_139 : vector<64x64xi1>, vector<64x64xf32>
    %div3A_146 = arith.divf %mul3A_133, %select_n3A_145 : vector<64x64xf32>
    %max3A_147 = arith.maximumf %broadcast_in_dim3A_100, %div3A_146 : vector<64x64xf32>
    %get3A_148 = arith.index_cast %select_n3A : i32 to index
    %get3A_149 = arith.constant 2 : index
    %get3A_150 = arith.constant 0 : index
    %get3A_151 = memref.load %arg2[%get3A_148, %get3A_149, %get3A_150] : memref<8x4x16xi32, #tpu.memory_space<smem>>
    %eq3A_152 = arith.cmpi eq, %select_n3A_28, %get3A_151 : i32
    %get3A_153 = arith.index_cast %select_n3A : i32 to index
    %get3A_154 = arith.constant 1 : index
    %get3A_155 = arith.constant 0 : index
    %get3A_156 = memref.load %arg2[%get3A_153, %get3A_154, %get3A_155] : memref<8x4x16xi32, #tpu.memory_space<smem>>
    %eq3A_157 = vector.broadcast %get3A_156 : i32 to vector<64x64xi32>
    %eq3A_158 = arith.cmpi eq, %iota3A, %eq3A_157 : vector<64x64xi32>
    %and3A_159 = vector.broadcast %eq3A_152 : i1 to vector<64x64xi1>
    %and3A_160 = arith.andi %and3A_159, %eq3A_158 : vector<64x64xi1>
    %get3A_161 = arith.index_cast %select_n3A : i32 to index
    %get3A_162 = arith.constant 0 : index
    %get3A_163 = arith.constant 0 : index
    %get3A_164 = memref.load %arg2[%get3A_161, %get3A_162, %get3A_163] : memref<8x4x16xi32, #tpu.memory_space<smem>>
    %eq3A_165 = vector.broadcast %get3A_164 : i32 to vector<64x64xi32>
    %eq3A_166 = arith.cmpi eq, %iota3A_44, %eq3A_165 : vector<64x64xi32>
    %and3A_167 = arith.andi %and3A_160, %eq3A_166 : vector<64x64xi1>
    %or3A = arith.ori %broadcast_in_dim3A_102, %and3A_167 : vector<64x64xi1>
    %get3A_168 = arith.index_cast %select_n3A : i32 to index
    %get3A_169 = arith.constant 0 : index
    %get3A_170 = arith.constant 1 : index
    %get3A_171 = memref.load %arg1[%get3A_168, %get3A_169, %get3A_170] : memref<8x8x16xf32, #tpu.memory_space<smem>>
    %get3A_172 = arith.index_cast %select_n3A : i32 to index
    %get3A_173 = arith.constant 1 : index
    %get3A_174 = arith.constant 1 : index
    %get3A_175 = memref.load %arg1[%get3A_172, %get3A_173, %get3A_174] : memref<8x8x16xf32, #tpu.memory_space<smem>>
    %get3A_176 = arith.index_cast %select_n3A : i32 to index
    %get3A_177 = arith.constant 2 : index
    %get3A_178 = arith.constant 1 : index
    %get3A_179 = memref.load %arg1[%get3A_176, %get3A_177, %get3A_178] : memref<8x8x16xf32, #tpu.memory_space<smem>>
    %get3A_180 = arith.index_cast %select_n3A : i32 to index
    %get3A_181 = arith.constant 3 : index
    %get3A_182 = arith.constant 1 : index
    %get3A_183 = memref.load %arg1[%get3A_180, %get3A_181, %get3A_182] : memref<8x8x16xf32, #tpu.memory_space<smem>>
    %max3A_184 = vector.broadcast %get3A_171 : f32 to vector<64x64xf32>
    %max3A_185 = arith.maximumf %add3A_78, %max3A_184 : vector<64x64xf32>
    %max3A_186 = vector.broadcast %get3A_175 : f32 to vector<64x64xf32>
    %max3A_187 = arith.maximumf %add3A_80, %max3A_186 : vector<64x64xf32>
    %min3A_188 = vector.broadcast %get3A_179 : f32 to vector<64x64xf32>
    %min3A_189 = arith.minimumf %exp3A, %min3A_188 : vector<64x64xf32>
    %min3A_190 = vector.broadcast %get3A_183 : f32 to vector<64x64xf32>
    %min3A_191 = arith.minimumf %exp3A_88, %min3A_190 : vector<64x64xf32>
    %lt3A_192 = arith.cmpf olt, %max3A_185, %min3A_189 : vector<64x64xf32>
    %lt3A_193 = arith.cmpf olt, %max3A_187, %min3A_191 : vector<64x64xf32>
    %and3A_194 = arith.andi %lt3A_192, %lt3A_193 : vector<64x64xi1>
    %convert_element_type3A_195 = arith.extui %and3A_194 : vector<64x64xi1> to vector<64x64xi32>
    %convert_element_type3A_196 = arith.sitofp %convert_element_type3A_195 : vector<64x64xi32> to vector<64x64xf32>
    %sub3A_197 = arith.subf %min3A_189, %max3A_185 : vector<64x64xf32>
    %sub3A_198 = arith.subf %min3A_191, %max3A_187 : vector<64x64xf32>
    %mul3A_199 = arith.mulf %sub3A_197, %sub3A_198 : vector<64x64xf32>
    %mul3A_200 = arith.mulf %mul3A_199, %convert_element_type3A_196 : vector<64x64xf32>
    %sub3A_201 = arith.subf %get3A_179, %get3A_171 : f32
    %sub3A_202 = arith.subf %get3A_183, %get3A_175 : f32
    %mul3A_203 = arith.mulf %sub3A_201, %sub3A_202 : f32
    %add3A_204 = vector.broadcast %mul3A_203 : f32 to vector<64x64xf32>
    %add3A_205 = arith.addf %mul3A_99, %add3A_204 : vector<64x64xf32>
    %sub3A_206 = arith.subf %add3A_205, %mul3A_200 : vector<64x64xf32>
    %eq3A_207 = arith.constant 0.000000e+00 : f32
    %eq3A_208 = vector.broadcast %eq3A_207 : f32 to vector<64x64xf32>
    %eq3A_209 = arith.cmpf oeq, %sub3A_206, %eq3A_208 : vector<64x64xf32>
    %jit3A_210 = arith.constant 1.000000e-16 : f32
    %broadcast_in_dim3A_211 = vector.broadcast %jit3A_210 : f32 to vector<64x64xf32>
    %select_n3A_212 = arith.select %eq3A_209, %broadcast_in_dim3A_211, %sub3A_206 : vector<64x64xi1>, vector<64x64xf32>
    %div3A_213 = arith.divf %mul3A_200, %select_n3A_212 : vector<64x64xf32>
    %max3A_214 = arith.maximumf %max3A_147, %div3A_213 : vector<64x64xf32>
    %get3A_215 = arith.index_cast %select_n3A : i32 to index
    %get3A_216 = arith.constant 2 : index
    %get3A_217 = arith.constant 1 : index
    %get3A_218 = memref.load %arg2[%get3A_215, %get3A_216, %get3A_217] : memref<8x4x16xi32, #tpu.memory_space<smem>>
    %eq3A_219 = arith.cmpi eq, %select_n3A_28, %get3A_218 : i32
    %get3A_220 = arith.index_cast %select_n3A : i32 to index
    %get3A_221 = arith.constant 1 : index
    %get3A_222 = arith.constant 1 : index
    %get3A_223 = memref.load %arg2[%get3A_220, %get3A_221, %get3A_222] : memref<8x4x16xi32, #tpu.memory_space<smem>>
    %eq3A_224 = vector.broadcast %get3A_223 : i32 to vector<64x64xi32>
    %eq3A_225 = arith.cmpi eq, %iota3A, %eq3A_224 : vector<64x64xi32>
    %and3A_226 = vector.broadcast %eq3A_219 : i1 to vector<64x64xi1>
    %and3A_227 = arith.andi %and3A_226, %eq3A_225 : vector<64x64xi1>
    %get3A_228 = arith.index_cast %select_n3A : i32 to index
    %get3A_229 = arith.constant 0 : index
    %get3A_230 = arith.constant 1 : index
    %get3A_231 = memref.load %arg2[%get3A_228, %get3A_229, %get3A_230] : memref<8x4x16xi32, #tpu.memory_space<smem>>
    %eq3A_232 = vector.broadcast %get3A_231 : i32 to vector<64x64xi32>
    %eq3A_233 = arith.cmpi eq, %iota3A_44, %eq3A_232 : vector<64x64xi32>
    %and3A_234 = arith.andi %and3A_227, %eq3A_233 : vector<64x64xi1>
    %or3A_235 = arith.ori %or3A, %and3A_234 : vector<64x64xi1>
    %get3A_236 = arith.index_cast %select_n3A : i32 to index
    %get3A_237 = arith.constant 0 : index
    %get3A_238 = arith.constant 2 : index
    %get3A_239 = memref.load %arg1[%get3A_236, %get3A_237, %get3A_238] : memref<8x8x16xf32, #tpu.memory_space<smem>>
    %get3A_240 = arith.index_cast %select_n3A : i32 to index
    %get3A_241 = arith.constant 1 : index
    %get3A_242 = arith.constant 2 : index
    %get3A_243 = memref.load %arg1[%get3A_240, %get3A_241, %get3A_242] : memref<8x8x16xf32, #tpu.memory_space<smem>>
    %get3A_244 = arith.index_cast %select_n3A : i32 to index
    %get3A_245 = arith.constant 2 : index
    %get3A_246 = arith.constant 2 : index
    %get3A_247 = memref.load %arg1[%get3A_244, %get3A_245, %get3A_246] : memref<8x8x16xf32, #tpu.memory_space<smem>>
    %get3A_248 = arith.index_cast %select_n3A : i32 to index
    %get3A_249 = arith.constant 3 : index
    %get3A_250 = arith.constant 2 : index
    %get3A_251 = memref.load %arg1[%get3A_248, %get3A_249, %get3A_250] : memref<8x8x16xf32, #tpu.memory_space<smem>>
    %max3A_252 = vector.broadcast %get3A_239 : f32 to vector<64x64xf32>
    %max3A_253 = arith.maximumf %add3A_78, %max3A_252 : vector<64x64xf32>
    %max3A_254 = vector.broadcast %get3A_243 : f32 to vector<64x64xf32>
    %max3A_255 = arith.maximumf %add3A_80, %max3A_254 : vector<64x64xf32>
    %min3A_256 = vector.broadcast %get3A_247 : f32 to vector<64x64xf32>
    %min3A_257 = arith.minimumf %exp3A, %min3A_256 : vector<64x64xf32>
    %min3A_258 = vector.broadcast %get3A_251 : f32 to vector<64x64xf32>
    %min3A_259 = arith.minimumf %exp3A_88, %min3A_258 : vector<64x64xf32>
    %lt3A_260 = arith.cmpf olt, %max3A_253, %min3A_257 : vector<64x64xf32>
    %lt3A_261 = arith.cmpf olt, %max3A_255, %min3A_259 : vector<64x64xf32>
    %and3A_262 = arith.andi %lt3A_260, %lt3A_261 : vector<64x64xi1>
    %convert_element_type3A_263 = arith.extui %and3A_262 : vector<64x64xi1> to vector<64x64xi32>
    %convert_element_type3A_264 = arith.sitofp %convert_element_type3A_263 : vector<64x64xi32> to vector<64x64xf32>
    %sub3A_265 = arith.subf %min3A_257, %max3A_253 : vector<64x64xf32>
    %sub3A_266 = arith.subf %min3A_259, %max3A_255 : vector<64x64xf32>
    %mul3A_267 = arith.mulf %sub3A_265, %sub3A_266 : vector<64x64xf32>
    %mul3A_268 = arith.mulf %mul3A_267, %convert_element_type3A_264 : vector<64x64xf32>
    %sub3A_269 = arith.subf %get3A_247, %get3A_239 : f32
    %sub3A_270 = arith.subf %get3A_251, %get3A_243 : f32
    %mul3A_271 = arith.mulf %sub3A_269, %sub3A_270 : f32
    %add3A_272 = vector.broadcast %mul3A_271 : f32 to vector<64x64xf32>
    %add3A_273 = arith.addf %mul3A_99, %add3A_272 : vector<64x64xf32>
    %sub3A_274 = arith.subf %add3A_273, %mul3A_268 : vector<64x64xf32>
    %eq3A_275 = arith.constant 0.000000e+00 : f32
    %eq3A_276 = vector.broadcast %eq3A_275 : f32 to vector<64x64xf32>
    %eq3A_277 = arith.cmpf oeq, %sub3A_274, %eq3A_276 : vector<64x64xf32>
    %jit3A_278 = arith.constant 1.000000e-16 : f32
    %broadcast_in_dim3A_279 = vector.broadcast %jit3A_278 : f32 to vector<64x64xf32>
    %select_n3A_280 = arith.select %eq3A_277, %broadcast_in_dim3A_279, %sub3A_274 : vector<64x64xi1>, vector<64x64xf32>
    %div3A_281 = arith.divf %mul3A_268, %select_n3A_280 : vector<64x64xf32>
    %max3A_282 = arith.maximumf %max3A_214, %div3A_281 : vector<64x64xf32>
    %get3A_283 = arith.index_cast %select_n3A : i32 to index
    %get3A_284 = arith.constant 2 : index
    %get3A_285 = arith.constant 2 : index
    %get3A_286 = memref.load %arg2[%get3A_283, %get3A_284, %get3A_285] : memref<8x4x16xi32, #tpu.memory_space<smem>>
    %eq3A_287 = arith.cmpi eq, %select_n3A_28, %get3A_286 : i32
    %get3A_288 = arith.index_cast %select_n3A : i32 to index
    %get3A_289 = arith.constant 1 : index
    %get3A_290 = arith.constant 2 : index
    %get3A_291 = memref.load %arg2[%get3A_288, %get3A_289, %get3A_290] : memref<8x4x16xi32, #tpu.memory_space<smem>>
    %eq3A_292 = vector.broadcast %get3A_291 : i32 to vector<64x64xi32>
    %eq3A_293 = arith.cmpi eq, %iota3A, %eq3A_292 : vector<64x64xi32>
    %and3A_294 = vector.broadcast %eq3A_287 : i1 to vector<64x64xi1>
    %and3A_295 = arith.andi %and3A_294, %eq3A_293 : vector<64x64xi1>
    %get3A_296 = arith.index_cast %select_n3A : i32 to index
    %get3A_297 = arith.constant 0 : index
    %get3A_298 = arith.constant 2 : index
    %get3A_299 = memref.load %arg2[%get3A_296, %get3A_297, %get3A_298] : memref<8x4x16xi32, #tpu.memory_space<smem>>
    %eq3A_300 = vector.broadcast %get3A_299 : i32 to vector<64x64xi32>
    %eq3A_301 = arith.cmpi eq, %iota3A_44, %eq3A_300 : vector<64x64xi32>
    %and3A_302 = arith.andi %and3A_295, %eq3A_301 : vector<64x64xi1>
    %or3A_303 = arith.ori %or3A_235, %and3A_302 : vector<64x64xi1>
    %get3A_304 = arith.index_cast %select_n3A : i32 to index
    %get3A_305 = arith.constant 0 : index
    %get3A_306 = arith.constant 3 : index
    %get3A_307 = memref.load %arg1[%get3A_304, %get3A_305, %get3A_306] : memref<8x8x16xf32, #tpu.memory_space<smem>>
    %get3A_308 = arith.index_cast %select_n3A : i32 to index
    %get3A_309 = arith.constant 1 : index
    %get3A_310 = arith.constant 3 : index
    %get3A_311 = memref.load %arg1[%get3A_308, %get3A_309, %get3A_310] : memref<8x8x16xf32, #tpu.memory_space<smem>>
    %get3A_312 = arith.index_cast %select_n3A : i32 to index
    %get3A_313 = arith.constant 2 : index
    %get3A_314 = arith.constant 3 : index
    %get3A_315 = memref.load %arg1[%get3A_312, %get3A_313, %get3A_314] : memref<8x8x16xf32, #tpu.memory_space<smem>>
    %get3A_316 = arith.index_cast %select_n3A : i32 to index
    %get3A_317 = arith.constant 3 : index
    %get3A_318 = arith.constant 3 : index
    %get3A_319 = memref.load %arg1[%get3A_316, %get3A_317, %get3A_318] : memref<8x8x16xf32, #tpu.memory_space<smem>>
    %max3A_320 = vector.broadcast %get3A_307 : f32 to vector<64x64xf32>
    %max3A_321 = arith.maximumf %add3A_78, %max3A_320 : vector<64x64xf32>
    %max3A_322 = vector.broadcast %get3A_311 : f32 to vector<64x64xf32>
    %max3A_323 = arith.maximumf %add3A_80, %max3A_322 : vector<64x64xf32>
    %min3A_324 = vector.broadcast %get3A_315 : f32 to vector<64x64xf32>
    %min3A_325 = arith.minimumf %exp3A, %min3A_324 : vector<64x64xf32>
    %min3A_326 = vector.broadcast %get3A_319 : f32 to vector<64x64xf32>
    %min3A_327 = arith.minimumf %exp3A_88, %min3A_326 : vector<64x64xf32>
    %lt3A_328 = arith.cmpf olt, %max3A_321, %min3A_325 : vector<64x64xf32>
    %lt3A_329 = arith.cmpf olt, %max3A_323, %min3A_327 : vector<64x64xf32>
    %and3A_330 = arith.andi %lt3A_328, %lt3A_329 : vector<64x64xi1>
    %convert_element_type3A_331 = arith.extui %and3A_330 : vector<64x64xi1> to vector<64x64xi32>
    %convert_element_type3A_332 = arith.sitofp %convert_element_type3A_331 : vector<64x64xi32> to vector<64x64xf32>
    %sub3A_333 = arith.subf %min3A_325, %max3A_321 : vector<64x64xf32>
    %sub3A_334 = arith.subf %min3A_327, %max3A_323 : vector<64x64xf32>
    %mul3A_335 = arith.mulf %sub3A_333, %sub3A_334 : vector<64x64xf32>
    %mul3A_336 = arith.mulf %mul3A_335, %convert_element_type3A_332 : vector<64x64xf32>
    %sub3A_337 = arith.subf %get3A_315, %get3A_307 : f32
    %sub3A_338 = arith.subf %get3A_319, %get3A_311 : f32
    %mul3A_339 = arith.mulf %sub3A_337, %sub3A_338 : f32
    %add3A_340 = vector.broadcast %mul3A_339 : f32 to vector<64x64xf32>
    %add3A_341 = arith.addf %mul3A_99, %add3A_340 : vector<64x64xf32>
    %sub3A_342 = arith.subf %add3A_341, %mul3A_336 : vector<64x64xf32>
    %eq3A_343 = arith.constant 0.000000e+00 : f32
    %eq3A_344 = vector.broadcast %eq3A_343 : f32 to vector<64x64xf32>
    %eq3A_345 = arith.cmpf oeq, %sub3A_342, %eq3A_344 : vector<64x64xf32>
    %jit3A_346 = arith.constant 1.000000e-16 : f32
    %broadcast_in_dim3A_347 = vector.broadcast %jit3A_346 : f32 to vector<64x64xf32>
    %select_n3A_348 = arith.select %eq3A_345, %broadcast_in_dim3A_347, %sub3A_342 : vector<64x64xi1>, vector<64x64xf32>
    %div3A_349 = arith.divf %mul3A_336, %select_n3A_348 : vector<64x64xf32>
    %max3A_350 = arith.maximumf %max3A_282, %div3A_349 : vector<64x64xf32>
    %get3A_351 = arith.index_cast %select_n3A : i32 to index
    %get3A_352 = arith.constant 2 : index
    %get3A_353 = arith.constant 3 : index
    %get3A_354 = memref.load %arg2[%get3A_351, %get3A_352, %get3A_353] : memref<8x4x16xi32, #tpu.memory_space<smem>>
    %eq3A_355 = arith.cmpi eq, %select_n3A_28, %get3A_354 : i32
    %get3A_356 = arith.index_cast %select_n3A : i32 to index
    %get3A_357 = arith.constant 1 : index
    %get3A_358 = arith.constant 3 : index
    %get3A_359 = memref.load %arg2[%get3A_356, %get3A_357, %get3A_358] : memref<8x4x16xi32, #tpu.memory_space<smem>>
    %eq3A_360 = vector.broadcast %get3A_359 : i32 to vector<64x64xi32>
    %eq3A_361 = arith.cmpi eq, %iota3A, %eq3A_360 : vector<64x64xi32>
    %and3A_362 = vector.broadcast %eq3A_355 : i1 to vector<64x64xi1>
    %and3A_363 = arith.andi %and3A_362, %eq3A_361 : vector<64x64xi1>
    %get3A_364 = arith.index_cast %select_n3A : i32 to index
    %get3A_365 = arith.constant 0 : index
    %get3A_366 = arith.constant 3 : index
    %get3A_367 = memref.load %arg2[%get3A_364, %get3A_365, %get3A_366] : memref<8x4x16xi32, #tpu.memory_space<smem>>
    %eq3A_368 = vector.broadcast %get3A_367 : i32 to vector<64x64xi32>
    %eq3A_369 = arith.cmpi eq, %iota3A_44, %eq3A_368 : vector<64x64xi32>
    %and3A_370 = arith.andi %and3A_363, %eq3A_369 : vector<64x64xi1>
    %or3A_371 = arith.ori %or3A_303, %and3A_370 : vector<64x64xi1>
    %get3A_372 = arith.index_cast %select_n3A : i32 to index
    %get3A_373 = arith.constant 0 : index
    %get3A_374 = arith.constant 4 : index
    %get3A_375 = memref.load %arg1[%get3A_372, %get3A_373, %get3A_374] : memref<8x8x16xf32, #tpu.memory_space<smem>>
    %get3A_376 = arith.index_cast %select_n3A : i32 to index
    %get3A_377 = arith.constant 1 : index
    %get3A_378 = arith.constant 4 : index
    %get3A_379 = memref.load %arg1[%get3A_376, %get3A_377, %get3A_378] : memref<8x8x16xf32, #tpu.memory_space<smem>>
    %get3A_380 = arith.index_cast %select_n3A : i32 to index
    %get3A_381 = arith.constant 2 : index
    %get3A_382 = arith.constant 4 : index
    %get3A_383 = memref.load %arg1[%get3A_380, %get3A_381, %get3A_382] : memref<8x8x16xf32, #tpu.memory_space<smem>>
    %get3A_384 = arith.index_cast %select_n3A : i32 to index
    %get3A_385 = arith.constant 3 : index
    %get3A_386 = arith.constant 4 : index
    %get3A_387 = memref.load %arg1[%get3A_384, %get3A_385, %get3A_386] : memref<8x8x16xf32, #tpu.memory_space<smem>>
    %max3A_388 = vector.broadcast %get3A_375 : f32 to vector<64x64xf32>
    %max3A_389 = arith.maximumf %add3A_78, %max3A_388 : vector<64x64xf32>
    %max3A_390 = vector.broadcast %get3A_379 : f32 to vector<64x64xf32>
    %max3A_391 = arith.maximumf %add3A_80, %max3A_390 : vector<64x64xf32>
    %min3A_392 = vector.broadcast %get3A_383 : f32 to vector<64x64xf32>
    %min3A_393 = arith.minimumf %exp3A, %min3A_392 : vector<64x64xf32>
    %min3A_394 = vector.broadcast %get3A_387 : f32 to vector<64x64xf32>
    %min3A_395 = arith.minimumf %exp3A_88, %min3A_394 : vector<64x64xf32>
    %lt3A_396 = arith.cmpf olt, %max3A_389, %min3A_393 : vector<64x64xf32>
    %lt3A_397 = arith.cmpf olt, %max3A_391, %min3A_395 : vector<64x64xf32>
    %and3A_398 = arith.andi %lt3A_396, %lt3A_397 : vector<64x64xi1>
    %convert_element_type3A_399 = arith.extui %and3A_398 : vector<64x64xi1> to vector<64x64xi32>
    %convert_element_type3A_400 = arith.sitofp %convert_element_type3A_399 : vector<64x64xi32> to vector<64x64xf32>
    %sub3A_401 = arith.subf %min3A_393, %max3A_389 : vector<64x64xf32>
    %sub3A_402 = arith.subf %min3A_395, %max3A_391 : vector<64x64xf32>
    %mul3A_403 = arith.mulf %sub3A_401, %sub3A_402 : vector<64x64xf32>
    %mul3A_404 = arith.mulf %mul3A_403, %convert_element_type3A_400 : vector<64x64xf32>
    %sub3A_405 = arith.subf %get3A_383, %get3A_375 : f32
    %sub3A_406 = arith.subf %get3A_387, %get3A_379 : f32
    %mul3A_407 = arith.mulf %sub3A_405, %sub3A_406 : f32
    %add3A_408 = vector.broadcast %mul3A_407 : f32 to vector<64x64xf32>
    %add3A_409 = arith.addf %mul3A_99, %add3A_408 : vector<64x64xf32>
    %sub3A_410 = arith.subf %add3A_409, %mul3A_404 : vector<64x64xf32>
    %eq3A_411 = arith.constant 0.000000e+00 : f32
    %eq3A_412 = vector.broadcast %eq3A_411 : f32 to vector<64x64xf32>
    %eq3A_413 = arith.cmpf oeq, %sub3A_410, %eq3A_412 : vector<64x64xf32>
    %jit3A_414 = arith.constant 1.000000e-16 : f32
    %broadcast_in_dim3A_415 = vector.broadcast %jit3A_414 : f32 to vector<64x64xf32>
    %select_n3A_416 = arith.select %eq3A_413, %broadcast_in_dim3A_415, %sub3A_410 : vector<64x64xi1>, vector<64x64xf32>
    %div3A_417 = arith.divf %mul3A_404, %select_n3A_416 : vector<64x64xf32>
    %max3A_418 = arith.maximumf %max3A_350, %div3A_417 : vector<64x64xf32>
    %get3A_419 = arith.index_cast %select_n3A : i32 to index
    %get3A_420 = arith.constant 2 : index
    %get3A_421 = arith.constant 4 : index
    %get3A_422 = memref.load %arg2[%get3A_419, %get3A_420, %get3A_421] : memref<8x4x16xi32, #tpu.memory_space<smem>>
    %eq3A_423 = arith.cmpi eq, %select_n3A_28, %get3A_422 : i32
    %get3A_424 = arith.index_cast %select_n3A : i32 to index
    %get3A_425 = arith.constant 1 : index
    %get3A_426 = arith.constant 4 : index
    %get3A_427 = memref.load %arg2[%get3A_424, %get3A_425, %get3A_426] : memref<8x4x16xi32, #tpu.memory_space<smem>>
    %eq3A_428 = vector.broadcast %get3A_427 : i32 to vector<64x64xi32>
    %eq3A_429 = arith.cmpi eq, %iota3A, %eq3A_428 : vector<64x64xi32>
    %and3A_430 = vector.broadcast %eq3A_423 : i1 to vector<64x64xi1>
    %and3A_431 = arith.andi %and3A_430, %eq3A_429 : vector<64x64xi1>
    %get3A_432 = arith.index_cast %select_n3A : i32 to index
    %get3A_433 = arith.constant 0 : index
    %get3A_434 = arith.constant 4 : index
    %get3A_435 = memref.load %arg2[%get3A_432, %get3A_433, %get3A_434] : memref<8x4x16xi32, #tpu.memory_space<smem>>
    %eq3A_436 = vector.broadcast %get3A_435 : i32 to vector<64x64xi32>
    %eq3A_437 = arith.cmpi eq, %iota3A_44, %eq3A_436 : vector<64x64xi32>
    %and3A_438 = arith.andi %and3A_431, %eq3A_437 : vector<64x64xi1>
    %or3A_439 = arith.ori %or3A_371, %and3A_438 : vector<64x64xi1>
    %get3A_440 = arith.index_cast %select_n3A : i32 to index
    %get3A_441 = arith.constant 0 : index
    %get3A_442 = arith.constant 5 : index
    %get3A_443 = memref.load %arg1[%get3A_440, %get3A_441, %get3A_442] : memref<8x8x16xf32, #tpu.memory_space<smem>>
    %get3A_444 = arith.index_cast %select_n3A : i32 to index
    %get3A_445 = arith.constant 1 : index
    %get3A_446 = arith.constant 5 : index
    %get3A_447 = memref.load %arg1[%get3A_444, %get3A_445, %get3A_446] : memref<8x8x16xf32, #tpu.memory_space<smem>>
    %get3A_448 = arith.index_cast %select_n3A : i32 to index
    %get3A_449 = arith.constant 2 : index
    %get3A_450 = arith.constant 5 : index
    %get3A_451 = memref.load %arg1[%get3A_448, %get3A_449, %get3A_450] : memref<8x8x16xf32, #tpu.memory_space<smem>>
    %get3A_452 = arith.index_cast %select_n3A : i32 to index
    %get3A_453 = arith.constant 3 : index
    %get3A_454 = arith.constant 5 : index
    %get3A_455 = memref.load %arg1[%get3A_452, %get3A_453, %get3A_454] : memref<8x8x16xf32, #tpu.memory_space<smem>>
    %max3A_456 = vector.broadcast %get3A_443 : f32 to vector<64x64xf32>
    %max3A_457 = arith.maximumf %add3A_78, %max3A_456 : vector<64x64xf32>
    %max3A_458 = vector.broadcast %get3A_447 : f32 to vector<64x64xf32>
    %max3A_459 = arith.maximumf %add3A_80, %max3A_458 : vector<64x64xf32>
    %min3A_460 = vector.broadcast %get3A_451 : f32 to vector<64x64xf32>
    %min3A_461 = arith.minimumf %exp3A, %min3A_460 : vector<64x64xf32>
    %min3A_462 = vector.broadcast %get3A_455 : f32 to vector<64x64xf32>
    %min3A_463 = arith.minimumf %exp3A_88, %min3A_462 : vector<64x64xf32>
    %lt3A_464 = arith.cmpf olt, %max3A_457, %min3A_461 : vector<64x64xf32>
    %lt3A_465 = arith.cmpf olt, %max3A_459, %min3A_463 : vector<64x64xf32>
    %and3A_466 = arith.andi %lt3A_464, %lt3A_465 : vector<64x64xi1>
    %convert_element_type3A_467 = arith.extui %and3A_466 : vector<64x64xi1> to vector<64x64xi32>
    %convert_element_type3A_468 = arith.sitofp %convert_element_type3A_467 : vector<64x64xi32> to vector<64x64xf32>
    %sub3A_469 = arith.subf %min3A_461, %max3A_457 : vector<64x64xf32>
    %sub3A_470 = arith.subf %min3A_463, %max3A_459 : vector<64x64xf32>
    %mul3A_471 = arith.mulf %sub3A_469, %sub3A_470 : vector<64x64xf32>
    %mul3A_472 = arith.mulf %mul3A_471, %convert_element_type3A_468 : vector<64x64xf32>
    %sub3A_473 = arith.subf %get3A_451, %get3A_443 : f32
    %sub3A_474 = arith.subf %get3A_455, %get3A_447 : f32
    %mul3A_475 = arith.mulf %sub3A_473, %sub3A_474 : f32
    %add3A_476 = vector.broadcast %mul3A_475 : f32 to vector<64x64xf32>
    %add3A_477 = arith.addf %mul3A_99, %add3A_476 : vector<64x64xf32>
    %sub3A_478 = arith.subf %add3A_477, %mul3A_472 : vector<64x64xf32>
    %eq3A_479 = arith.constant 0.000000e+00 : f32
    %eq3A_480 = vector.broadcast %eq3A_479 : f32 to vector<64x64xf32>
    %eq3A_481 = arith.cmpf oeq, %sub3A_478, %eq3A_480 : vector<64x64xf32>
    %jit3A_482 = arith.constant 1.000000e-16 : f32
    %broadcast_in_dim3A_483 = vector.broadcast %jit3A_482 : f32 to vector<64x64xf32>
    %select_n3A_484 = arith.select %eq3A_481, %broadcast_in_dim3A_483, %sub3A_478 : vector<64x64xi1>, vector<64x64xf32>
    %div3A_485 = arith.divf %mul3A_472, %select_n3A_484 : vector<64x64xf32>
    %max3A_486 = arith.maximumf %max3A_418, %div3A_485 : vector<64x64xf32>
    %get3A_487 = arith.index_cast %select_n3A : i32 to index
    %get3A_488 = arith.constant 2 : index
    %get3A_489 = arith.constant 5 : index
    %get3A_490 = memref.load %arg2[%get3A_487, %get3A_488, %get3A_489] : memref<8x4x16xi32, #tpu.memory_space<smem>>
    %eq3A_491 = arith.cmpi eq, %select_n3A_28, %get3A_490 : i32
    %get3A_492 = arith.index_cast %select_n3A : i32 to index
    %get3A_493 = arith.constant 1 : index
    %get3A_494 = arith.constant 5 : index
    %get3A_495 = memref.load %arg2[%get3A_492, %get3A_493, %get3A_494] : memref<8x4x16xi32, #tpu.memory_space<smem>>
    %eq3A_496 = vector.broadcast %get3A_495 : i32 to vector<64x64xi32>
    %eq3A_497 = arith.cmpi eq, %iota3A, %eq3A_496 : vector<64x64xi32>
    %and3A_498 = vector.broadcast %eq3A_491 : i1 to vector<64x64xi1>
    %and3A_499 = arith.andi %and3A_498, %eq3A_497 : vector<64x64xi1>
    %get3A_500 = arith.index_cast %select_n3A : i32 to index
    %get3A_501 = arith.constant 0 : index
    %get3A_502 = arith.constant 5 : index
    %get3A_503 = memref.load %arg2[%get3A_500, %get3A_501, %get3A_502] : memref<8x4x16xi32, #tpu.memory_space<smem>>
    %eq3A_504 = vector.broadcast %get3A_503 : i32 to vector<64x64xi32>
    %eq3A_505 = arith.cmpi eq, %iota3A_44, %eq3A_504 : vector<64x64xi32>
    %and3A_506 = arith.andi %and3A_499, %eq3A_505 : vector<64x64xi1>
    %or3A_507 = arith.ori %or3A_439, %and3A_506 : vector<64x64xi1>
    %get3A_508 = arith.index_cast %select_n3A : i32 to index
    %get3A_509 = arith.constant 0 : index
    %get3A_510 = arith.constant 6 : index
    %get3A_511 = memref.load %arg1[%get3A_508, %get3A_509, %get3A_510] : memref<8x8x16xf32, #tpu.memory_space<smem>>
    %get3A_512 = arith.index_cast %select_n3A : i32 to index
    %get3A_513 = arith.constant 1 : index
    %get3A_514 = arith.constant 6 : index
    %get3A_515 = memref.load %arg1[%get3A_512, %get3A_513, %get3A_514] : memref<8x8x16xf32, #tpu.memory_space<smem>>
    %get3A_516 = arith.index_cast %select_n3A : i32 to index
    %get3A_517 = arith.constant 2 : index
    %get3A_518 = arith.constant 6 : index
    %get3A_519 = memref.load %arg1[%get3A_516, %get3A_517, %get3A_518] : memref<8x8x16xf32, #tpu.memory_space<smem>>
    %get3A_520 = arith.index_cast %select_n3A : i32 to index
    %get3A_521 = arith.constant 3 : index
    %get3A_522 = arith.constant 6 : index
    %get3A_523 = memref.load %arg1[%get3A_520, %get3A_521, %get3A_522] : memref<8x8x16xf32, #tpu.memory_space<smem>>
    %max3A_524 = vector.broadcast %get3A_511 : f32 to vector<64x64xf32>
    %max3A_525 = arith.maximumf %add3A_78, %max3A_524 : vector<64x64xf32>
    %max3A_526 = vector.broadcast %get3A_515 : f32 to vector<64x64xf32>
    %max3A_527 = arith.maximumf %add3A_80, %max3A_526 : vector<64x64xf32>
    %min3A_528 = vector.broadcast %get3A_519 : f32 to vector<64x64xf32>
    %min3A_529 = arith.minimumf %exp3A, %min3A_528 : vector<64x64xf32>
    %min3A_530 = vector.broadcast %get3A_523 : f32 to vector<64x64xf32>
    %min3A_531 = arith.minimumf %exp3A_88, %min3A_530 : vector<64x64xf32>
    %lt3A_532 = arith.cmpf olt, %max3A_525, %min3A_529 : vector<64x64xf32>
    %lt3A_533 = arith.cmpf olt, %max3A_527, %min3A_531 : vector<64x64xf32>
    %and3A_534 = arith.andi %lt3A_532, %lt3A_533 : vector<64x64xi1>
    %convert_element_type3A_535 = arith.extui %and3A_534 : vector<64x64xi1> to vector<64x64xi32>
    %convert_element_type3A_536 = arith.sitofp %convert_element_type3A_535 : vector<64x64xi32> to vector<64x64xf32>
    %sub3A_537 = arith.subf %min3A_529, %max3A_525 : vector<64x64xf32>
    %sub3A_538 = arith.subf %min3A_531, %max3A_527 : vector<64x64xf32>
    %mul3A_539 = arith.mulf %sub3A_537, %sub3A_538 : vector<64x64xf32>
    %mul3A_540 = arith.mulf %mul3A_539, %convert_element_type3A_536 : vector<64x64xf32>
    %sub3A_541 = arith.subf %get3A_519, %get3A_511 : f32
    %sub3A_542 = arith.subf %get3A_523, %get3A_515 : f32
    %mul3A_543 = arith.mulf %sub3A_541, %sub3A_542 : f32
    %add3A_544 = vector.broadcast %mul3A_543 : f32 to vector<64x64xf32>
    %add3A_545 = arith.addf %mul3A_99, %add3A_544 : vector<64x64xf32>
    %sub3A_546 = arith.subf %add3A_545, %mul3A_540 : vector<64x64xf32>
    %eq3A_547 = arith.constant 0.000000e+00 : f32
    %eq3A_548 = vector.broadcast %eq3A_547 : f32 to vector<64x64xf32>
    %eq3A_549 = arith.cmpf oeq, %sub3A_546, %eq3A_548 : vector<64x64xf32>
    %jit3A_550 = arith.constant 1.000000e-16 : f32
    %broadcast_in_dim3A_551 = vector.broadcast %jit3A_550 : f32 to vector<64x64xf32>
    %select_n3A_552 = arith.select %eq3A_549, %broadcast_in_dim3A_551, %sub3A_546 : vector<64x64xi1>, vector<64x64xf32>
    %div3A_553 = arith.divf %mul3A_540, %select_n3A_552 : vector<64x64xf32>
    %max3A_554 = arith.maximumf %max3A_486, %div3A_553 : vector<64x64xf32>
    %get3A_555 = arith.index_cast %select_n3A : i32 to index
    %get3A_556 = arith.constant 2 : index
    %get3A_557 = arith.constant 6 : index
    %get3A_558 = memref.load %arg2[%get3A_555, %get3A_556, %get3A_557] : memref<8x4x16xi32, #tpu.memory_space<smem>>
    %eq3A_559 = arith.cmpi eq, %select_n3A_28, %get3A_558 : i32
    %get3A_560 = arith.index_cast %select_n3A : i32 to index
    %get3A_561 = arith.constant 1 : index
    %get3A_562 = arith.constant 6 : index
    %get3A_563 = memref.load %arg2[%get3A_560, %get3A_561, %get3A_562] : memref<8x4x16xi32, #tpu.memory_space<smem>>
    %eq3A_564 = vector.broadcast %get3A_563 : i32 to vector<64x64xi32>
    %eq3A_565 = arith.cmpi eq, %iota3A, %eq3A_564 : vector<64x64xi32>
    %and3A_566 = vector.broadcast %eq3A_559 : i1 to vector<64x64xi1>
    %and3A_567 = arith.andi %and3A_566, %eq3A_565 : vector<64x64xi1>
    %get3A_568 = arith.index_cast %select_n3A : i32 to index
    %get3A_569 = arith.constant 0 : index
    %get3A_570 = arith.constant 6 : index
    %get3A_571 = memref.load %arg2[%get3A_568, %get3A_569, %get3A_570] : memref<8x4x16xi32, #tpu.memory_space<smem>>
    %eq3A_572 = vector.broadcast %get3A_571 : i32 to vector<64x64xi32>
    %eq3A_573 = arith.cmpi eq, %iota3A_44, %eq3A_572 : vector<64x64xi32>
    %and3A_574 = arith.andi %and3A_567, %eq3A_573 : vector<64x64xi1>
    %or3A_575 = arith.ori %or3A_507, %and3A_574 : vector<64x64xi1>
    %get3A_576 = arith.index_cast %select_n3A : i32 to index
    %get3A_577 = arith.constant 0 : index
    %get3A_578 = arith.constant 7 : index
    %get3A_579 = memref.load %arg1[%get3A_576, %get3A_577, %get3A_578] : memref<8x8x16xf32, #tpu.memory_space<smem>>
    %get3A_580 = arith.index_cast %select_n3A : i32 to index
    %get3A_581 = arith.constant 1 : index
    %get3A_582 = arith.constant 7 : index
    %get3A_583 = memref.load %arg1[%get3A_580, %get3A_581, %get3A_582] : memref<8x8x16xf32, #tpu.memory_space<smem>>
    %get3A_584 = arith.index_cast %select_n3A : i32 to index
    %get3A_585 = arith.constant 2 : index
    %get3A_586 = arith.constant 7 : index
    %get3A_587 = memref.load %arg1[%get3A_584, %get3A_585, %get3A_586] : memref<8x8x16xf32, #tpu.memory_space<smem>>
    %get3A_588 = arith.index_cast %select_n3A : i32 to index
    %get3A_589 = arith.constant 3 : index
    %get3A_590 = arith.constant 7 : index
    %get3A_591 = memref.load %arg1[%get3A_588, %get3A_589, %get3A_590] : memref<8x8x16xf32, #tpu.memory_space<smem>>
    %max3A_592 = vector.broadcast %get3A_579 : f32 to vector<64x64xf32>
    %max3A_593 = arith.maximumf %add3A_78, %max3A_592 : vector<64x64xf32>
    %max3A_594 = vector.broadcast %get3A_583 : f32 to vector<64x64xf32>
    %max3A_595 = arith.maximumf %add3A_80, %max3A_594 : vector<64x64xf32>
    %min3A_596 = vector.broadcast %get3A_587 : f32 to vector<64x64xf32>
    %min3A_597 = arith.minimumf %exp3A, %min3A_596 : vector<64x64xf32>
    %min3A_598 = vector.broadcast %get3A_591 : f32 to vector<64x64xf32>
    %min3A_599 = arith.minimumf %exp3A_88, %min3A_598 : vector<64x64xf32>
    %lt3A_600 = arith.cmpf olt, %max3A_593, %min3A_597 : vector<64x64xf32>
    %lt3A_601 = arith.cmpf olt, %max3A_595, %min3A_599 : vector<64x64xf32>
    %and3A_602 = arith.andi %lt3A_600, %lt3A_601 : vector<64x64xi1>
    %convert_element_type3A_603 = arith.extui %and3A_602 : vector<64x64xi1> to vector<64x64xi32>
    %convert_element_type3A_604 = arith.sitofp %convert_element_type3A_603 : vector<64x64xi32> to vector<64x64xf32>
    %sub3A_605 = arith.subf %min3A_597, %max3A_593 : vector<64x64xf32>
    %sub3A_606 = arith.subf %min3A_599, %max3A_595 : vector<64x64xf32>
    %mul3A_607 = arith.mulf %sub3A_605, %sub3A_606 : vector<64x64xf32>
    %mul3A_608 = arith.mulf %mul3A_607, %convert_element_type3A_604 : vector<64x64xf32>
    %sub3A_609 = arith.subf %get3A_587, %get3A_579 : f32
    %sub3A_610 = arith.subf %get3A_591, %get3A_583 : f32
    %mul3A_611 = arith.mulf %sub3A_609, %sub3A_610 : f32
    %add3A_612 = vector.broadcast %mul3A_611 : f32 to vector<64x64xf32>
    %add3A_613 = arith.addf %mul3A_99, %add3A_612 : vector<64x64xf32>
    %sub3A_614 = arith.subf %add3A_613, %mul3A_608 : vector<64x64xf32>
    %eq3A_615 = arith.constant 0.000000e+00 : f32
    %eq3A_616 = vector.broadcast %eq3A_615 : f32 to vector<64x64xf32>
    %eq3A_617 = arith.cmpf oeq, %sub3A_614, %eq3A_616 : vector<64x64xf32>
    %jit3A_618 = arith.constant 1.000000e-16 : f32
    %broadcast_in_dim3A_619 = vector.broadcast %jit3A_618 : f32 to vector<64x64xf32>
    %select_n3A_620 = arith.select %eq3A_617, %broadcast_in_dim3A_619, %sub3A_614 : vector<64x64xi1>, vector<64x64xf32>
    %div3A_621 = arith.divf %mul3A_608, %select_n3A_620 : vector<64x64xf32>
    %max3A_622 = arith.maximumf %max3A_554, %div3A_621 : vector<64x64xf32>
    %get3A_623 = arith.index_cast %select_n3A : i32 to index
    %get3A_624 = arith.constant 2 : index
    %get3A_625 = arith.constant 7 : index
    %get3A_626 = memref.load %arg2[%get3A_623, %get3A_624, %get3A_625] : memref<8x4x16xi32, #tpu.memory_space<smem>>
    %eq3A_627 = arith.cmpi eq, %select_n3A_28, %get3A_626 : i32
    %get3A_628 = arith.index_cast %select_n3A : i32 to index
    %get3A_629 = arith.constant 1 : index
    %get3A_630 = arith.constant 7 : index
    %get3A_631 = memref.load %arg2[%get3A_628, %get3A_629, %get3A_630] : memref<8x4x16xi32, #tpu.memory_space<smem>>
    %eq3A_632 = vector.broadcast %get3A_631 : i32 to vector<64x64xi32>
    %eq3A_633 = arith.cmpi eq, %iota3A, %eq3A_632 : vector<64x64xi32>
    %and3A_634 = vector.broadcast %eq3A_627 : i1 to vector<64x64xi1>
    %and3A_635 = arith.andi %and3A_634, %eq3A_633 : vector<64x64xi1>
    %get3A_636 = arith.index_cast %select_n3A : i32 to index
    %get3A_637 = arith.constant 0 : index
    %get3A_638 = arith.constant 7 : index
    %get3A_639 = memref.load %arg2[%get3A_636, %get3A_637, %get3A_638] : memref<8x4x16xi32, #tpu.memory_space<smem>>
    %eq3A_640 = vector.broadcast %get3A_639 : i32 to vector<64x64xi32>
    %eq3A_641 = arith.cmpi eq, %iota3A_44, %eq3A_640 : vector<64x64xi32>
    %and3A_642 = arith.andi %and3A_635, %eq3A_641 : vector<64x64xi1>
    %or3A_643 = arith.ori %or3A_575, %and3A_642 : vector<64x64xi1>
    %get3A_644 = arith.index_cast %select_n3A : i32 to index
    %get3A_645 = arith.constant 0 : index
    %get3A_646 = arith.constant 8 : index
    %get3A_647 = memref.load %arg1[%get3A_644, %get3A_645, %get3A_646] : memref<8x8x16xf32, #tpu.memory_space<smem>>
    %get3A_648 = arith.index_cast %select_n3A : i32 to index
    %get3A_649 = arith.constant 1 : index
    %get3A_650 = arith.constant 8 : index
    %get3A_651 = memref.load %arg1[%get3A_648, %get3A_649, %get3A_650] : memref<8x8x16xf32, #tpu.memory_space<smem>>
    %get3A_652 = arith.index_cast %select_n3A : i32 to index
    %get3A_653 = arith.constant 2 : index
    %get3A_654 = arith.constant 8 : index
    %get3A_655 = memref.load %arg1[%get3A_652, %get3A_653, %get3A_654] : memref<8x8x16xf32, #tpu.memory_space<smem>>
    %get3A_656 = arith.index_cast %select_n3A : i32 to index
    %get3A_657 = arith.constant 3 : index
    %get3A_658 = arith.constant 8 : index
    %get3A_659 = memref.load %arg1[%get3A_656, %get3A_657, %get3A_658] : memref<8x8x16xf32, #tpu.memory_space<smem>>
    %max3A_660 = vector.broadcast %get3A_647 : f32 to vector<64x64xf32>
    %max3A_661 = arith.maximumf %add3A_78, %max3A_660 : vector<64x64xf32>
    %max3A_662 = vector.broadcast %get3A_651 : f32 to vector<64x64xf32>
    %max3A_663 = arith.maximumf %add3A_80, %max3A_662 : vector<64x64xf32>
    %min3A_664 = vector.broadcast %get3A_655 : f32 to vector<64x64xf32>
    %min3A_665 = arith.minimumf %exp3A, %min3A_664 : vector<64x64xf32>
    %min3A_666 = vector.broadcast %get3A_659 : f32 to vector<64x64xf32>
    %min3A_667 = arith.minimumf %exp3A_88, %min3A_666 : vector<64x64xf32>
    %lt3A_668 = arith.cmpf olt, %max3A_661, %min3A_665 : vector<64x64xf32>
    %lt3A_669 = arith.cmpf olt, %max3A_663, %min3A_667 : vector<64x64xf32>
    %and3A_670 = arith.andi %lt3A_668, %lt3A_669 : vector<64x64xi1>
    %convert_element_type3A_671 = arith.extui %and3A_670 : vector<64x64xi1> to vector<64x64xi32>
    %convert_element_type3A_672 = arith.sitofp %convert_element_type3A_671 : vector<64x64xi32> to vector<64x64xf32>
    %sub3A_673 = arith.subf %min3A_665, %max3A_661 : vector<64x64xf32>
    %sub3A_674 = arith.subf %min3A_667, %max3A_663 : vector<64x64xf32>
    %mul3A_675 = arith.mulf %sub3A_673, %sub3A_674 : vector<64x64xf32>
    %mul3A_676 = arith.mulf %mul3A_675, %convert_element_type3A_672 : vector<64x64xf32>
    %sub3A_677 = arith.subf %get3A_655, %get3A_647 : f32
    %sub3A_678 = arith.subf %get3A_659, %get3A_651 : f32
    %mul3A_679 = arith.mulf %sub3A_677, %sub3A_678 : f32
    %add3A_680 = vector.broadcast %mul3A_679 : f32 to vector<64x64xf32>
    %add3A_681 = arith.addf %mul3A_99, %add3A_680 : vector<64x64xf32>
    %sub3A_682 = arith.subf %add3A_681, %mul3A_676 : vector<64x64xf32>
    %eq3A_683 = arith.constant 0.000000e+00 : f32
    %eq3A_684 = vector.broadcast %eq3A_683 : f32 to vector<64x64xf32>
    %eq3A_685 = arith.cmpf oeq, %sub3A_682, %eq3A_684 : vector<64x64xf32>
    %jit3A_686 = arith.constant 1.000000e-16 : f32
    %broadcast_in_dim3A_687 = vector.broadcast %jit3A_686 : f32 to vector<64x64xf32>
    %select_n3A_688 = arith.select %eq3A_685, %broadcast_in_dim3A_687, %sub3A_682 : vector<64x64xi1>, vector<64x64xf32>
    %div3A_689 = arith.divf %mul3A_676, %select_n3A_688 : vector<64x64xf32>
    %max3A_690 = arith.maximumf %max3A_622, %div3A_689 : vector<64x64xf32>
    %get3A_691 = arith.index_cast %select_n3A : i32 to index
    %get3A_692 = arith.constant 2 : index
    %get3A_693 = arith.constant 8 : index
    %get3A_694 = memref.load %arg2[%get3A_691, %get3A_692, %get3A_693] : memref<8x4x16xi32, #tpu.memory_space<smem>>
    %eq3A_695 = arith.cmpi eq, %select_n3A_28, %get3A_694 : i32
    %get3A_696 = arith.index_cast %select_n3A : i32 to index
    %get3A_697 = arith.constant 1 : index
    %get3A_698 = arith.constant 8 : index
    %get3A_699 = memref.load %arg2[%get3A_696, %get3A_697, %get3A_698] : memref<8x4x16xi32, #tpu.memory_space<smem>>
    %eq3A_700 = vector.broadcast %get3A_699 : i32 to vector<64x64xi32>
    %eq3A_701 = arith.cmpi eq, %iota3A, %eq3A_700 : vector<64x64xi32>
    %and3A_702 = vector.broadcast %eq3A_695 : i1 to vector<64x64xi1>
    %and3A_703 = arith.andi %and3A_702, %eq3A_701 : vector<64x64xi1>
    %get3A_704 = arith.index_cast %select_n3A : i32 to index
    %get3A_705 = arith.constant 0 : index
    %get3A_706 = arith.constant 8 : index
    %get3A_707 = memref.load %arg2[%get3A_704, %get3A_705, %get3A_706] : memref<8x4x16xi32, #tpu.memory_space<smem>>
    %eq3A_708 = vector.broadcast %get3A_707 : i32 to vector<64x64xi32>
    %eq3A_709 = arith.cmpi eq, %iota3A_44, %eq3A_708 : vector<64x64xi32>
    %and3A_710 = arith.andi %and3A_703, %eq3A_709 : vector<64x64xi1>
    %or3A_711 = arith.ori %or3A_643, %and3A_710 : vector<64x64xi1>
    %get3A_712 = arith.index_cast %select_n3A : i32 to index
    %get3A_713 = arith.constant 0 : index
    %get3A_714 = arith.constant 9 : index
    %get3A_715 = memref.load %arg1[%get3A_712, %get3A_713, %get3A_714] : memref<8x8x16xf32, #tpu.memory_space<smem>>
    %get3A_716 = arith.index_cast %select_n3A : i32 to index
    %get3A_717 = arith.constant 1 : index
    %get3A_718 = arith.constant 9 : index
    %get3A_719 = memref.load %arg1[%get3A_716, %get3A_717, %get3A_718] : memref<8x8x16xf32, #tpu.memory_space<smem>>
    %get3A_720 = arith.index_cast %select_n3A : i32 to index
    %get3A_721 = arith.constant 2 : index
    %get3A_722 = arith.constant 9 : index
    %get3A_723 = memref.load %arg1[%get3A_720, %get3A_721, %get3A_722] : memref<8x8x16xf32, #tpu.memory_space<smem>>
    %get3A_724 = arith.index_cast %select_n3A : i32 to index
    %get3A_725 = arith.constant 3 : index
    %get3A_726 = arith.constant 9 : index
    %get3A_727 = memref.load %arg1[%get3A_724, %get3A_725, %get3A_726] : memref<8x8x16xf32, #tpu.memory_space<smem>>
    %max3A_728 = vector.broadcast %get3A_715 : f32 to vector<64x64xf32>
    %max3A_729 = arith.maximumf %add3A_78, %max3A_728 : vector<64x64xf32>
    %max3A_730 = vector.broadcast %get3A_719 : f32 to vector<64x64xf32>
    %max3A_731 = arith.maximumf %add3A_80, %max3A_730 : vector<64x64xf32>
    %min3A_732 = vector.broadcast %get3A_723 : f32 to vector<64x64xf32>
    %min3A_733 = arith.minimumf %exp3A, %min3A_732 : vector<64x64xf32>
    %min3A_734 = vector.broadcast %get3A_727 : f32 to vector<64x64xf32>
    %min3A_735 = arith.minimumf %exp3A_88, %min3A_734 : vector<64x64xf32>
    %lt3A_736 = arith.cmpf olt, %max3A_729, %min3A_733 : vector<64x64xf32>
    %lt3A_737 = arith.cmpf olt, %max3A_731, %min3A_735 : vector<64x64xf32>
    %and3A_738 = arith.andi %lt3A_736, %lt3A_737 : vector<64x64xi1>
    %convert_element_type3A_739 = arith.extui %and3A_738 : vector<64x64xi1> to vector<64x64xi32>
    %convert_element_type3A_740 = arith.sitofp %convert_element_type3A_739 : vector<64x64xi32> to vector<64x64xf32>
    %sub3A_741 = arith.subf %min3A_733, %max3A_729 : vector<64x64xf32>
    %sub3A_742 = arith.subf %min3A_735, %max3A_731 : vector<64x64xf32>
    %mul3A_743 = arith.mulf %sub3A_741, %sub3A_742 : vector<64x64xf32>
    %mul3A_744 = arith.mulf %mul3A_743, %convert_element_type3A_740 : vector<64x64xf32>
    %sub3A_745 = arith.subf %get3A_723, %get3A_715 : f32
    %sub3A_746 = arith.subf %get3A_727, %get3A_719 : f32
    %mul3A_747 = arith.mulf %sub3A_745, %sub3A_746 : f32
    %add3A_748 = vector.broadcast %mul3A_747 : f32 to vector<64x64xf32>
    %add3A_749 = arith.addf %mul3A_99, %add3A_748 : vector<64x64xf32>
    %sub3A_750 = arith.subf %add3A_749, %mul3A_744 : vector<64x64xf32>
    %eq3A_751 = arith.constant 0.000000e+00 : f32
    %eq3A_752 = vector.broadcast %eq3A_751 : f32 to vector<64x64xf32>
    %eq3A_753 = arith.cmpf oeq, %sub3A_750, %eq3A_752 : vector<64x64xf32>
    %jit3A_754 = arith.constant 1.000000e-16 : f32
    %broadcast_in_dim3A_755 = vector.broadcast %jit3A_754 : f32 to vector<64x64xf32>
    %select_n3A_756 = arith.select %eq3A_753, %broadcast_in_dim3A_755, %sub3A_750 : vector<64x64xi1>, vector<64x64xf32>
    %div3A_757 = arith.divf %mul3A_744, %select_n3A_756 : vector<64x64xf32>
    %max3A_758 = arith.maximumf %max3A_690, %div3A_757 : vector<64x64xf32>
    %get3A_759 = arith.index_cast %select_n3A : i32 to index
    %get3A_760 = arith.constant 2 : index
    %get3A_761 = arith.constant 9 : index
    %get3A_762 = memref.load %arg2[%get3A_759, %get3A_760, %get3A_761] : memref<8x4x16xi32, #tpu.memory_space<smem>>
    %eq3A_763 = arith.cmpi eq, %select_n3A_28, %get3A_762 : i32
    %get3A_764 = arith.index_cast %select_n3A : i32 to index
    %get3A_765 = arith.constant 1 : index
    %get3A_766 = arith.constant 9 : index
    %get3A_767 = memref.load %arg2[%get3A_764, %get3A_765, %get3A_766] : memref<8x4x16xi32, #tpu.memory_space<smem>>
    %eq3A_768 = vector.broadcast %get3A_767 : i32 to vector<64x64xi32>
    %eq3A_769 = arith.cmpi eq, %iota3A, %eq3A_768 : vector<64x64xi32>
    %and3A_770 = vector.broadcast %eq3A_763 : i1 to vector<64x64xi1>
    %and3A_771 = arith.andi %and3A_770, %eq3A_769 : vector<64x64xi1>
    %get3A_772 = arith.index_cast %select_n3A : i32 to index
    %get3A_773 = arith.constant 0 : index
    %get3A_774 = arith.constant 9 : index
    %get3A_775 = memref.load %arg2[%get3A_772, %get3A_773, %get3A_774] : memref<8x4x16xi32, #tpu.memory_space<smem>>
    %eq3A_776 = vector.broadcast %get3A_775 : i32 to vector<64x64xi32>
    %eq3A_777 = arith.cmpi eq, %iota3A_44, %eq3A_776 : vector<64x64xi32>
    %and3A_778 = arith.andi %and3A_771, %eq3A_777 : vector<64x64xi1>
    %or3A_779 = arith.ori %or3A_711, %and3A_778 : vector<64x64xi1>
    %get3A_780 = arith.index_cast %select_n3A : i32 to index
    %get3A_781 = arith.constant 0 : index
    %get3A_782 = arith.constant 10 : index
    %get3A_783 = memref.load %arg1[%get3A_780, %get3A_781, %get3A_782] : memref<8x8x16xf32, #tpu.memory_space<smem>>
    %get3A_784 = arith.index_cast %select_n3A : i32 to index
    %get3A_785 = arith.constant 1 : index
    %get3A_786 = arith.constant 10 : index
    %get3A_787 = memref.load %arg1[%get3A_784, %get3A_785, %get3A_786] : memref<8x8x16xf32, #tpu.memory_space<smem>>
    %get3A_788 = arith.index_cast %select_n3A : i32 to index
    %get3A_789 = arith.constant 2 : index
    %get3A_790 = arith.constant 10 : index
    %get3A_791 = memref.load %arg1[%get3A_788, %get3A_789, %get3A_790] : memref<8x8x16xf32, #tpu.memory_space<smem>>
    %get3A_792 = arith.index_cast %select_n3A : i32 to index
    %get3A_793 = arith.constant 3 : index
    %get3A_794 = arith.constant 10 : index
    %get3A_795 = memref.load %arg1[%get3A_792, %get3A_793, %get3A_794] : memref<8x8x16xf32, #tpu.memory_space<smem>>
    %max3A_796 = vector.broadcast %get3A_783 : f32 to vector<64x64xf32>
    %max3A_797 = arith.maximumf %add3A_78, %max3A_796 : vector<64x64xf32>
    %max3A_798 = vector.broadcast %get3A_787 : f32 to vector<64x64xf32>
    %max3A_799 = arith.maximumf %add3A_80, %max3A_798 : vector<64x64xf32>
    %min3A_800 = vector.broadcast %get3A_791 : f32 to vector<64x64xf32>
    %min3A_801 = arith.minimumf %exp3A, %min3A_800 : vector<64x64xf32>
    %min3A_802 = vector.broadcast %get3A_795 : f32 to vector<64x64xf32>
    %min3A_803 = arith.minimumf %exp3A_88, %min3A_802 : vector<64x64xf32>
    %lt3A_804 = arith.cmpf olt, %max3A_797, %min3A_801 : vector<64x64xf32>
    %lt3A_805 = arith.cmpf olt, %max3A_799, %min3A_803 : vector<64x64xf32>
    %and3A_806 = arith.andi %lt3A_804, %lt3A_805 : vector<64x64xi1>
    %convert_element_type3A_807 = arith.extui %and3A_806 : vector<64x64xi1> to vector<64x64xi32>
    %convert_element_type3A_808 = arith.sitofp %convert_element_type3A_807 : vector<64x64xi32> to vector<64x64xf32>
    %sub3A_809 = arith.subf %min3A_801, %max3A_797 : vector<64x64xf32>
    %sub3A_810 = arith.subf %min3A_803, %max3A_799 : vector<64x64xf32>
    %mul3A_811 = arith.mulf %sub3A_809, %sub3A_810 : vector<64x64xf32>
    %mul3A_812 = arith.mulf %mul3A_811, %convert_element_type3A_808 : vector<64x64xf32>
    %sub3A_813 = arith.subf %get3A_791, %get3A_783 : f32
    %sub3A_814 = arith.subf %get3A_795, %get3A_787 : f32
    %mul3A_815 = arith.mulf %sub3A_813, %sub3A_814 : f32
    %add3A_816 = vector.broadcast %mul3A_815 : f32 to vector<64x64xf32>
    %add3A_817 = arith.addf %mul3A_99, %add3A_816 : vector<64x64xf32>
    %sub3A_818 = arith.subf %add3A_817, %mul3A_812 : vector<64x64xf32>
    %eq3A_819 = arith.constant 0.000000e+00 : f32
    %eq3A_820 = vector.broadcast %eq3A_819 : f32 to vector<64x64xf32>
    %eq3A_821 = arith.cmpf oeq, %sub3A_818, %eq3A_820 : vector<64x64xf32>
    %jit3A_822 = arith.constant 1.000000e-16 : f32
    %broadcast_in_dim3A_823 = vector.broadcast %jit3A_822 : f32 to vector<64x64xf32>
    %select_n3A_824 = arith.select %eq3A_821, %broadcast_in_dim3A_823, %sub3A_818 : vector<64x64xi1>, vector<64x64xf32>
    %div3A_825 = arith.divf %mul3A_812, %select_n3A_824 : vector<64x64xf32>
    %max3A_826 = arith.maximumf %max3A_758, %div3A_825 : vector<64x64xf32>
    %get3A_827 = arith.index_cast %select_n3A : i32 to index
    %get3A_828 = arith.constant 2 : index
    %get3A_829 = arith.constant 10 : index
    %get3A_830 = memref.load %arg2[%get3A_827, %get3A_828, %get3A_829] : memref<8x4x16xi32, #tpu.memory_space<smem>>
    %eq3A_831 = arith.cmpi eq, %select_n3A_28, %get3A_830 : i32
    %get3A_832 = arith.index_cast %select_n3A : i32 to index
    %get3A_833 = arith.constant 1 : index
    %get3A_834 = arith.constant 10 : index
    %get3A_835 = memref.load %arg2[%get3A_832, %get3A_833, %get3A_834] : memref<8x4x16xi32, #tpu.memory_space<smem>>
    %eq3A_836 = vector.broadcast %get3A_835 : i32 to vector<64x64xi32>
    %eq3A_837 = arith.cmpi eq, %iota3A, %eq3A_836 : vector<64x64xi32>
    %and3A_838 = vector.broadcast %eq3A_831 : i1 to vector<64x64xi1>
    %and3A_839 = arith.andi %and3A_838, %eq3A_837 : vector<64x64xi1>
    %get3A_840 = arith.index_cast %select_n3A : i32 to index
    %get3A_841 = arith.constant 0 : index
    %get3A_842 = arith.constant 10 : index
    %get3A_843 = memref.load %arg2[%get3A_840, %get3A_841, %get3A_842] : memref<8x4x16xi32, #tpu.memory_space<smem>>
    %eq3A_844 = vector.broadcast %get3A_843 : i32 to vector<64x64xi32>
    %eq3A_845 = arith.cmpi eq, %iota3A_44, %eq3A_844 : vector<64x64xi32>
    %and3A_846 = arith.andi %and3A_839, %eq3A_845 : vector<64x64xi1>
    %or3A_847 = arith.ori %or3A_779, %and3A_846 : vector<64x64xi1>
    %get3A_848 = arith.index_cast %select_n3A : i32 to index
    %get3A_849 = arith.constant 0 : index
    %get3A_850 = arith.constant 11 : index
    %get3A_851 = memref.load %arg1[%get3A_848, %get3A_849, %get3A_850] : memref<8x8x16xf32, #tpu.memory_space<smem>>
    %get3A_852 = arith.index_cast %select_n3A : i32 to index
    %get3A_853 = arith.constant 1 : index
    %get3A_854 = arith.constant 11 : index
    %get3A_855 = memref.load %arg1[%get3A_852, %get3A_853, %get3A_854] : memref<8x8x16xf32, #tpu.memory_space<smem>>
    %get3A_856 = arith.index_cast %select_n3A : i32 to index
    %get3A_857 = arith.constant 2 : index
    %get3A_858 = arith.constant 11 : index
    %get3A_859 = memref.load %arg1[%get3A_856, %get3A_857, %get3A_858] : memref<8x8x16xf32, #tpu.memory_space<smem>>
    %get3A_860 = arith.index_cast %select_n3A : i32 to index
    %get3A_861 = arith.constant 3 : index
    %get3A_862 = arith.constant 11 : index
    %get3A_863 = memref.load %arg1[%get3A_860, %get3A_861, %get3A_862] : memref<8x8x16xf32, #tpu.memory_space<smem>>
    %max3A_864 = vector.broadcast %get3A_851 : f32 to vector<64x64xf32>
    %max3A_865 = arith.maximumf %add3A_78, %max3A_864 : vector<64x64xf32>
    %max3A_866 = vector.broadcast %get3A_855 : f32 to vector<64x64xf32>
    %max3A_867 = arith.maximumf %add3A_80, %max3A_866 : vector<64x64xf32>
    %min3A_868 = vector.broadcast %get3A_859 : f32 to vector<64x64xf32>
    %min3A_869 = arith.minimumf %exp3A, %min3A_868 : vector<64x64xf32>
    %min3A_870 = vector.broadcast %get3A_863 : f32 to vector<64x64xf32>
    %min3A_871 = arith.minimumf %exp3A_88, %min3A_870 : vector<64x64xf32>
    %lt3A_872 = arith.cmpf olt, %max3A_865, %min3A_869 : vector<64x64xf32>
    %lt3A_873 = arith.cmpf olt, %max3A_867, %min3A_871 : vector<64x64xf32>
    %and3A_874 = arith.andi %lt3A_872, %lt3A_873 : vector<64x64xi1>
    %convert_element_type3A_875 = arith.extui %and3A_874 : vector<64x64xi1> to vector<64x64xi32>
    %convert_element_type3A_876 = arith.sitofp %convert_element_type3A_875 : vector<64x64xi32> to vector<64x64xf32>
    %sub3A_877 = arith.subf %min3A_869, %max3A_865 : vector<64x64xf32>
    %sub3A_878 = arith.subf %min3A_871, %max3A_867 : vector<64x64xf32>
    %mul3A_879 = arith.mulf %sub3A_877, %sub3A_878 : vector<64x64xf32>
    %mul3A_880 = arith.mulf %mul3A_879, %convert_element_type3A_876 : vector<64x64xf32>
    %sub3A_881 = arith.subf %get3A_859, %get3A_851 : f32
    %sub3A_882 = arith.subf %get3A_863, %get3A_855 : f32
    %mul3A_883 = arith.mulf %sub3A_881, %sub3A_882 : f32
    %add3A_884 = vector.broadcast %mul3A_883 : f32 to vector<64x64xf32>
    %add3A_885 = arith.addf %mul3A_99, %add3A_884 : vector<64x64xf32>
    %sub3A_886 = arith.subf %add3A_885, %mul3A_880 : vector<64x64xf32>
    %eq3A_887 = arith.constant 0.000000e+00 : f32
    %eq3A_888 = vector.broadcast %eq3A_887 : f32 to vector<64x64xf32>
    %eq3A_889 = arith.cmpf oeq, %sub3A_886, %eq3A_888 : vector<64x64xf32>
    %jit3A_890 = arith.constant 1.000000e-16 : f32
    %broadcast_in_dim3A_891 = vector.broadcast %jit3A_890 : f32 to vector<64x64xf32>
    %select_n3A_892 = arith.select %eq3A_889, %broadcast_in_dim3A_891, %sub3A_886 : vector<64x64xi1>, vector<64x64xf32>
    %div3A_893 = arith.divf %mul3A_880, %select_n3A_892 : vector<64x64xf32>
    %max3A_894 = arith.maximumf %max3A_826, %div3A_893 : vector<64x64xf32>
    %get3A_895 = arith.index_cast %select_n3A : i32 to index
    %get3A_896 = arith.constant 2 : index
    %get3A_897 = arith.constant 11 : index
    %get3A_898 = memref.load %arg2[%get3A_895, %get3A_896, %get3A_897] : memref<8x4x16xi32, #tpu.memory_space<smem>>
    %eq3A_899 = arith.cmpi eq, %select_n3A_28, %get3A_898 : i32
    %get3A_900 = arith.index_cast %select_n3A : i32 to index
    %get3A_901 = arith.constant 1 : index
    %get3A_902 = arith.constant 11 : index
    %get3A_903 = memref.load %arg2[%get3A_900, %get3A_901, %get3A_902] : memref<8x4x16xi32, #tpu.memory_space<smem>>
    %eq3A_904 = vector.broadcast %get3A_903 : i32 to vector<64x64xi32>
    %eq3A_905 = arith.cmpi eq, %iota3A, %eq3A_904 : vector<64x64xi32>
    %and3A_906 = vector.broadcast %eq3A_899 : i1 to vector<64x64xi1>
    %and3A_907 = arith.andi %and3A_906, %eq3A_905 : vector<64x64xi1>
    %get3A_908 = arith.index_cast %select_n3A : i32 to index
    %get3A_909 = arith.constant 0 : index
    %get3A_910 = arith.constant 11 : index
    %get3A_911 = memref.load %arg2[%get3A_908, %get3A_909, %get3A_910] : memref<8x4x16xi32, #tpu.memory_space<smem>>
    %eq3A_912 = vector.broadcast %get3A_911 : i32 to vector<64x64xi32>
    %eq3A_913 = arith.cmpi eq, %iota3A_44, %eq3A_912 : vector<64x64xi32>
    %and3A_914 = arith.andi %and3A_907, %eq3A_913 : vector<64x64xi1>
    %or3A_915 = arith.ori %or3A_847, %and3A_914 : vector<64x64xi1>
    %get3A_916 = arith.index_cast %select_n3A : i32 to index
    %get3A_917 = arith.constant 0 : index
    %get3A_918 = arith.constant 12 : index
    %get3A_919 = memref.load %arg1[%get3A_916, %get3A_917, %get3A_918] : memref<8x8x16xf32, #tpu.memory_space<smem>>
    %get3A_920 = arith.index_cast %select_n3A : i32 to index
    %get3A_921 = arith.constant 1 : index
    %get3A_922 = arith.constant 12 : index
    %get3A_923 = memref.load %arg1[%get3A_920, %get3A_921, %get3A_922] : memref<8x8x16xf32, #tpu.memory_space<smem>>
    %get3A_924 = arith.index_cast %select_n3A : i32 to index
    %get3A_925 = arith.constant 2 : index
    %get3A_926 = arith.constant 12 : index
    %get3A_927 = memref.load %arg1[%get3A_924, %get3A_925, %get3A_926] : memref<8x8x16xf32, #tpu.memory_space<smem>>
    %get3A_928 = arith.index_cast %select_n3A : i32 to index
    %get3A_929 = arith.constant 3 : index
    %get3A_930 = arith.constant 12 : index
    %get3A_931 = memref.load %arg1[%get3A_928, %get3A_929, %get3A_930] : memref<8x8x16xf32, #tpu.memory_space<smem>>
    %max3A_932 = vector.broadcast %get3A_919 : f32 to vector<64x64xf32>
    %max3A_933 = arith.maximumf %add3A_78, %max3A_932 : vector<64x64xf32>
    %max3A_934 = vector.broadcast %get3A_923 : f32 to vector<64x64xf32>
    %max3A_935 = arith.maximumf %add3A_80, %max3A_934 : vector<64x64xf32>
    %min3A_936 = vector.broadcast %get3A_927 : f32 to vector<64x64xf32>
    %min3A_937 = arith.minimumf %exp3A, %min3A_936 : vector<64x64xf32>
    %min3A_938 = vector.broadcast %get3A_931 : f32 to vector<64x64xf32>
    %min3A_939 = arith.minimumf %exp3A_88, %min3A_938 : vector<64x64xf32>
    %lt3A_940 = arith.cmpf olt, %max3A_933, %min3A_937 : vector<64x64xf32>
    %lt3A_941 = arith.cmpf olt, %max3A_935, %min3A_939 : vector<64x64xf32>
    %and3A_942 = arith.andi %lt3A_940, %lt3A_941 : vector<64x64xi1>
    %convert_element_type3A_943 = arith.extui %and3A_942 : vector<64x64xi1> to vector<64x64xi32>
    %convert_element_type3A_944 = arith.sitofp %convert_element_type3A_943 : vector<64x64xi32> to vector<64x64xf32>
    %sub3A_945 = arith.subf %min3A_937, %max3A_933 : vector<64x64xf32>
    %sub3A_946 = arith.subf %min3A_939, %max3A_935 : vector<64x64xf32>
    %mul3A_947 = arith.mulf %sub3A_945, %sub3A_946 : vector<64x64xf32>
    %mul3A_948 = arith.mulf %mul3A_947, %convert_element_type3A_944 : vector<64x64xf32>
    %sub3A_949 = arith.subf %get3A_927, %get3A_919 : f32
    %sub3A_950 = arith.subf %get3A_931, %get3A_923 : f32
    %mul3A_951 = arith.mulf %sub3A_949, %sub3A_950 : f32
    %add3A_952 = vector.broadcast %mul3A_951 : f32 to vector<64x64xf32>
    %add3A_953 = arith.addf %mul3A_99, %add3A_952 : vector<64x64xf32>
    %sub3A_954 = arith.subf %add3A_953, %mul3A_948 : vector<64x64xf32>
    %eq3A_955 = arith.constant 0.000000e+00 : f32
    %eq3A_956 = vector.broadcast %eq3A_955 : f32 to vector<64x64xf32>
    %eq3A_957 = arith.cmpf oeq, %sub3A_954, %eq3A_956 : vector<64x64xf32>
    %jit3A_958 = arith.constant 1.000000e-16 : f32
    %broadcast_in_dim3A_959 = vector.broadcast %jit3A_958 : f32 to vector<64x64xf32>
    %select_n3A_960 = arith.select %eq3A_957, %broadcast_in_dim3A_959, %sub3A_954 : vector<64x64xi1>, vector<64x64xf32>
    %div3A_961 = arith.divf %mul3A_948, %select_n3A_960 : vector<64x64xf32>
    %max3A_962 = arith.maximumf %max3A_894, %div3A_961 : vector<64x64xf32>
    %get3A_963 = arith.index_cast %select_n3A : i32 to index
    %get3A_964 = arith.constant 2 : index
    %get3A_965 = arith.constant 12 : index
    %get3A_966 = memref.load %arg2[%get3A_963, %get3A_964, %get3A_965] : memref<8x4x16xi32, #tpu.memory_space<smem>>
    %eq3A_967 = arith.cmpi eq, %select_n3A_28, %get3A_966 : i32
    %get3A_968 = arith.index_cast %select_n3A : i32 to index
    %get3A_969 = arith.constant 1 : index
    %get3A_970 = arith.constant 12 : index
    %get3A_971 = memref.load %arg2[%get3A_968, %get3A_969, %get3A_970] : memref<8x4x16xi32, #tpu.memory_space<smem>>
    %eq3A_972 = vector.broadcast %get3A_971 : i32 to vector<64x64xi32>
    %eq3A_973 = arith.cmpi eq, %iota3A, %eq3A_972 : vector<64x64xi32>
    %and3A_974 = vector.broadcast %eq3A_967 : i1 to vector<64x64xi1>
    %and3A_975 = arith.andi %and3A_974, %eq3A_973 : vector<64x64xi1>
    %get3A_976 = arith.index_cast %select_n3A : i32 to index
    %get3A_977 = arith.constant 0 : index
    %get3A_978 = arith.constant 12 : index
    %get3A_979 = memref.load %arg2[%get3A_976, %get3A_977, %get3A_978] : memref<8x4x16xi32, #tpu.memory_space<smem>>
    %eq3A_980 = vector.broadcast %get3A_979 : i32 to vector<64x64xi32>
    %eq3A_981 = arith.cmpi eq, %iota3A_44, %eq3A_980 : vector<64x64xi32>
    %and3A_982 = arith.andi %and3A_975, %eq3A_981 : vector<64x64xi1>
    %or3A_983 = arith.ori %or3A_915, %and3A_982 : vector<64x64xi1>
    %get3A_984 = arith.index_cast %select_n3A : i32 to index
    %get3A_985 = arith.constant 0 : index
    %get3A_986 = arith.constant 13 : index
    %get3A_987 = memref.load %arg1[%get3A_984, %get3A_985, %get3A_986] : memref<8x8x16xf32, #tpu.memory_space<smem>>
    %get3A_988 = arith.index_cast %select_n3A : i32 to index
    %get3A_989 = arith.constant 1 : index
    %get3A_990 = arith.constant 13 : index
    %get3A_991 = memref.load %arg1[%get3A_988, %get3A_989, %get3A_990] : memref<8x8x16xf32, #tpu.memory_space<smem>>
    %get3A_992 = arith.index_cast %select_n3A : i32 to index
    %get3A_993 = arith.constant 2 : index
    %get3A_994 = arith.constant 13 : index
    %get3A_995 = memref.load %arg1[%get3A_992, %get3A_993, %get3A_994] : memref<8x8x16xf32, #tpu.memory_space<smem>>
    %get3A_996 = arith.index_cast %select_n3A : i32 to index
    %get3A_997 = arith.constant 3 : index
    %get3A_998 = arith.constant 13 : index
    %get3A_999 = memref.load %arg1[%get3A_996, %get3A_997, %get3A_998] : memref<8x8x16xf32, #tpu.memory_space<smem>>
    %max3A_1000 = vector.broadcast %get3A_987 : f32 to vector<64x64xf32>
    %max3A_1001 = arith.maximumf %add3A_78, %max3A_1000 : vector<64x64xf32>
    %max3A_1002 = vector.broadcast %get3A_991 : f32 to vector<64x64xf32>
    %max3A_1003 = arith.maximumf %add3A_80, %max3A_1002 : vector<64x64xf32>
    %min3A_1004 = vector.broadcast %get3A_995 : f32 to vector<64x64xf32>
    %min3A_1005 = arith.minimumf %exp3A, %min3A_1004 : vector<64x64xf32>
    %min3A_1006 = vector.broadcast %get3A_999 : f32 to vector<64x64xf32>
    %min3A_1007 = arith.minimumf %exp3A_88, %min3A_1006 : vector<64x64xf32>
    %lt3A_1008 = arith.cmpf olt, %max3A_1001, %min3A_1005 : vector<64x64xf32>
    %lt3A_1009 = arith.cmpf olt, %max3A_1003, %min3A_1007 : vector<64x64xf32>
    %and3A_1010 = arith.andi %lt3A_1008, %lt3A_1009 : vector<64x64xi1>
    %convert_element_type3A_1011 = arith.extui %and3A_1010 : vector<64x64xi1> to vector<64x64xi32>
    %convert_element_type3A_1012 = arith.sitofp %convert_element_type3A_1011 : vector<64x64xi32> to vector<64x64xf32>
    %sub3A_1013 = arith.subf %min3A_1005, %max3A_1001 : vector<64x64xf32>
    %sub3A_1014 = arith.subf %min3A_1007, %max3A_1003 : vector<64x64xf32>
    %mul3A_1015 = arith.mulf %sub3A_1013, %sub3A_1014 : vector<64x64xf32>
    %mul3A_1016 = arith.mulf %mul3A_1015, %convert_element_type3A_1012 : vector<64x64xf32>
    %sub3A_1017 = arith.subf %get3A_995, %get3A_987 : f32
    %sub3A_1018 = arith.subf %get3A_999, %get3A_991 : f32
    %mul3A_1019 = arith.mulf %sub3A_1017, %sub3A_1018 : f32
    %add3A_1020 = vector.broadcast %mul3A_1019 : f32 to vector<64x64xf32>
    %add3A_1021 = arith.addf %mul3A_99, %add3A_1020 : vector<64x64xf32>
    %sub3A_1022 = arith.subf %add3A_1021, %mul3A_1016 : vector<64x64xf32>
    %eq3A_1023 = arith.constant 0.000000e+00 : f32
    %eq3A_1024 = vector.broadcast %eq3A_1023 : f32 to vector<64x64xf32>
    %eq3A_1025 = arith.cmpf oeq, %sub3A_1022, %eq3A_1024 : vector<64x64xf32>
    %jit3A_1026 = arith.constant 1.000000e-16 : f32
    %broadcast_in_dim3A_1027 = vector.broadcast %jit3A_1026 : f32 to vector<64x64xf32>
    %select_n3A_1028 = arith.select %eq3A_1025, %broadcast_in_dim3A_1027, %sub3A_1022 : vector<64x64xi1>, vector<64x64xf32>
    %div3A_1029 = arith.divf %mul3A_1016, %select_n3A_1028 : vector<64x64xf32>
    %max3A_1030 = arith.maximumf %max3A_962, %div3A_1029 : vector<64x64xf32>
    %get3A_1031 = arith.index_cast %select_n3A : i32 to index
    %get3A_1032 = arith.constant 2 : index
    %get3A_1033 = arith.constant 13 : index
    %get3A_1034 = memref.load %arg2[%get3A_1031, %get3A_1032, %get3A_1033] : memref<8x4x16xi32, #tpu.memory_space<smem>>
    %eq3A_1035 = arith.cmpi eq, %select_n3A_28, %get3A_1034 : i32
    %get3A_1036 = arith.index_cast %select_n3A : i32 to index
    %get3A_1037 = arith.constant 1 : index
    %get3A_1038 = arith.constant 13 : index
    %get3A_1039 = memref.load %arg2[%get3A_1036, %get3A_1037, %get3A_1038] : memref<8x4x16xi32, #tpu.memory_space<smem>>
    %eq3A_1040 = vector.broadcast %get3A_1039 : i32 to vector<64x64xi32>
    %eq3A_1041 = arith.cmpi eq, %iota3A, %eq3A_1040 : vector<64x64xi32>
    %and3A_1042 = vector.broadcast %eq3A_1035 : i1 to vector<64x64xi1>
    %and3A_1043 = arith.andi %and3A_1042, %eq3A_1041 : vector<64x64xi1>
    %get3A_1044 = arith.index_cast %select_n3A : i32 to index
    %get3A_1045 = arith.constant 0 : index
    %get3A_1046 = arith.constant 13 : index
    %get3A_1047 = memref.load %arg2[%get3A_1044, %get3A_1045, %get3A_1046] : memref<8x4x16xi32, #tpu.memory_space<smem>>
    %eq3A_1048 = vector.broadcast %get3A_1047 : i32 to vector<64x64xi32>
    %eq3A_1049 = arith.cmpi eq, %iota3A_44, %eq3A_1048 : vector<64x64xi32>
    %and3A_1050 = arith.andi %and3A_1043, %eq3A_1049 : vector<64x64xi1>
    %or3A_1051 = arith.ori %or3A_983, %and3A_1050 : vector<64x64xi1>
    %get3A_1052 = arith.index_cast %select_n3A : i32 to index
    %get3A_1053 = arith.constant 0 : index
    %get3A_1054 = arith.constant 14 : index
    %get3A_1055 = memref.load %arg1[%get3A_1052, %get3A_1053, %get3A_1054] : memref<8x8x16xf32, #tpu.memory_space<smem>>
    %get3A_1056 = arith.index_cast %select_n3A : i32 to index
    %get3A_1057 = arith.constant 1 : index
    %get3A_1058 = arith.constant 14 : index
    %get3A_1059 = memref.load %arg1[%get3A_1056, %get3A_1057, %get3A_1058] : memref<8x8x16xf32, #tpu.memory_space<smem>>
    %get3A_1060 = arith.index_cast %select_n3A : i32 to index
    %get3A_1061 = arith.constant 2 : index
    %get3A_1062 = arith.constant 14 : index
    %get3A_1063 = memref.load %arg1[%get3A_1060, %get3A_1061, %get3A_1062] : memref<8x8x16xf32, #tpu.memory_space<smem>>
    %get3A_1064 = arith.index_cast %select_n3A : i32 to index
    %get3A_1065 = arith.constant 3 : index
    %get3A_1066 = arith.constant 14 : index
    %get3A_1067 = memref.load %arg1[%get3A_1064, %get3A_1065, %get3A_1066] : memref<8x8x16xf32, #tpu.memory_space<smem>>
    %max3A_1068 = vector.broadcast %get3A_1055 : f32 to vector<64x64xf32>
    %max3A_1069 = arith.maximumf %add3A_78, %max3A_1068 : vector<64x64xf32>
    %max3A_1070 = vector.broadcast %get3A_1059 : f32 to vector<64x64xf32>
    %max3A_1071 = arith.maximumf %add3A_80, %max3A_1070 : vector<64x64xf32>
    %min3A_1072 = vector.broadcast %get3A_1063 : f32 to vector<64x64xf32>
    %min3A_1073 = arith.minimumf %exp3A, %min3A_1072 : vector<64x64xf32>
    %min3A_1074 = vector.broadcast %get3A_1067 : f32 to vector<64x64xf32>
    %min3A_1075 = arith.minimumf %exp3A_88, %min3A_1074 : vector<64x64xf32>
    %lt3A_1076 = arith.cmpf olt, %max3A_1069, %min3A_1073 : vector<64x64xf32>
    %lt3A_1077 = arith.cmpf olt, %max3A_1071, %min3A_1075 : vector<64x64xf32>
    %and3A_1078 = arith.andi %lt3A_1076, %lt3A_1077 : vector<64x64xi1>
    %convert_element_type3A_1079 = arith.extui %and3A_1078 : vector<64x64xi1> to vector<64x64xi32>
    %convert_element_type3A_1080 = arith.sitofp %convert_element_type3A_1079 : vector<64x64xi32> to vector<64x64xf32>
    %sub3A_1081 = arith.subf %min3A_1073, %max3A_1069 : vector<64x64xf32>
    %sub3A_1082 = arith.subf %min3A_1075, %max3A_1071 : vector<64x64xf32>
    %mul3A_1083 = arith.mulf %sub3A_1081, %sub3A_1082 : vector<64x64xf32>
    %mul3A_1084 = arith.mulf %mul3A_1083, %convert_element_type3A_1080 : vector<64x64xf32>
    %sub3A_1085 = arith.subf %get3A_1063, %get3A_1055 : f32
    %sub3A_1086 = arith.subf %get3A_1067, %get3A_1059 : f32
    %mul3A_1087 = arith.mulf %sub3A_1085, %sub3A_1086 : f32
    %add3A_1088 = vector.broadcast %mul3A_1087 : f32 to vector<64x64xf32>
    %add3A_1089 = arith.addf %mul3A_99, %add3A_1088 : vector<64x64xf32>
    %sub3A_1090 = arith.subf %add3A_1089, %mul3A_1084 : vector<64x64xf32>
    %eq3A_1091 = arith.constant 0.000000e+00 : f32
    %eq3A_1092 = vector.broadcast %eq3A_1091 : f32 to vector<64x64xf32>
    %eq3A_1093 = arith.cmpf oeq, %sub3A_1090, %eq3A_1092 : vector<64x64xf32>
    %jit3A_1094 = arith.constant 1.000000e-16 : f32
    %broadcast_in_dim3A_1095 = vector.broadcast %jit3A_1094 : f32 to vector<64x64xf32>
    %select_n3A_1096 = arith.select %eq3A_1093, %broadcast_in_dim3A_1095, %sub3A_1090 : vector<64x64xi1>, vector<64x64xf32>
    %div3A_1097 = arith.divf %mul3A_1084, %select_n3A_1096 : vector<64x64xf32>
    %max3A_1098 = arith.maximumf %max3A_1030, %div3A_1097 : vector<64x64xf32>
    %get3A_1099 = arith.index_cast %select_n3A : i32 to index
    %get3A_1100 = arith.constant 2 : index
    %get3A_1101 = arith.constant 14 : index
    %get3A_1102 = memref.load %arg2[%get3A_1099, %get3A_1100, %get3A_1101] : memref<8x4x16xi32, #tpu.memory_space<smem>>
    %eq3A_1103 = arith.cmpi eq, %select_n3A_28, %get3A_1102 : i32
    %get3A_1104 = arith.index_cast %select_n3A : i32 to index
    %get3A_1105 = arith.constant 1 : index
    %get3A_1106 = arith.constant 14 : index
    %get3A_1107 = memref.load %arg2[%get3A_1104, %get3A_1105, %get3A_1106] : memref<8x4x16xi32, #tpu.memory_space<smem>>
    %eq3A_1108 = vector.broadcast %get3A_1107 : i32 to vector<64x64xi32>
    %eq3A_1109 = arith.cmpi eq, %iota3A, %eq3A_1108 : vector<64x64xi32>
    %and3A_1110 = vector.broadcast %eq3A_1103 : i1 to vector<64x64xi1>
    %and3A_1111 = arith.andi %and3A_1110, %eq3A_1109 : vector<64x64xi1>
    %get3A_1112 = arith.index_cast %select_n3A : i32 to index
    %get3A_1113 = arith.constant 0 : index
    %get3A_1114 = arith.constant 14 : index
    %get3A_1115 = memref.load %arg2[%get3A_1112, %get3A_1113, %get3A_1114] : memref<8x4x16xi32, #tpu.memory_space<smem>>
    %eq3A_1116 = vector.broadcast %get3A_1115 : i32 to vector<64x64xi32>
    %eq3A_1117 = arith.cmpi eq, %iota3A_44, %eq3A_1116 : vector<64x64xi32>
    %and3A_1118 = arith.andi %and3A_1111, %eq3A_1117 : vector<64x64xi1>
    %or3A_1119 = arith.ori %or3A_1051, %and3A_1118 : vector<64x64xi1>
    %get3A_1120 = arith.index_cast %select_n3A : i32 to index
    %get3A_1121 = arith.constant 0 : index
    %get3A_1122 = arith.constant 15 : index
    %get3A_1123 = memref.load %arg1[%get3A_1120, %get3A_1121, %get3A_1122] : memref<8x8x16xf32, #tpu.memory_space<smem>>
    %get3A_1124 = arith.index_cast %select_n3A : i32 to index
    %get3A_1125 = arith.constant 1 : index
    %get3A_1126 = arith.constant 15 : index
    %get3A_1127 = memref.load %arg1[%get3A_1124, %get3A_1125, %get3A_1126] : memref<8x8x16xf32, #tpu.memory_space<smem>>
    %get3A_1128 = arith.index_cast %select_n3A : i32 to index
    %get3A_1129 = arith.constant 2 : index
    %get3A_1130 = arith.constant 15 : index
    %get3A_1131 = memref.load %arg1[%get3A_1128, %get3A_1129, %get3A_1130] : memref<8x8x16xf32, #tpu.memory_space<smem>>
    %get3A_1132 = arith.index_cast %select_n3A : i32 to index
    %get3A_1133 = arith.constant 3 : index
    %get3A_1134 = arith.constant 15 : index
    %get3A_1135 = memref.load %arg1[%get3A_1132, %get3A_1133, %get3A_1134] : memref<8x8x16xf32, #tpu.memory_space<smem>>
    %max3A_1136 = vector.broadcast %get3A_1123 : f32 to vector<64x64xf32>
    %max3A_1137 = arith.maximumf %add3A_78, %max3A_1136 : vector<64x64xf32>
    %max3A_1138 = vector.broadcast %get3A_1127 : f32 to vector<64x64xf32>
    %max3A_1139 = arith.maximumf %add3A_80, %max3A_1138 : vector<64x64xf32>
    %min3A_1140 = vector.broadcast %get3A_1131 : f32 to vector<64x64xf32>
    %min3A_1141 = arith.minimumf %exp3A, %min3A_1140 : vector<64x64xf32>
    %min3A_1142 = vector.broadcast %get3A_1135 : f32 to vector<64x64xf32>
    %min3A_1143 = arith.minimumf %exp3A_88, %min3A_1142 : vector<64x64xf32>
    %lt3A_1144 = arith.cmpf olt, %max3A_1137, %min3A_1141 : vector<64x64xf32>
    %lt3A_1145 = arith.cmpf olt, %max3A_1139, %min3A_1143 : vector<64x64xf32>
    %and3A_1146 = arith.andi %lt3A_1144, %lt3A_1145 : vector<64x64xi1>
    %convert_element_type3A_1147 = arith.extui %and3A_1146 : vector<64x64xi1> to vector<64x64xi32>
    %convert_element_type3A_1148 = arith.sitofp %convert_element_type3A_1147 : vector<64x64xi32> to vector<64x64xf32>
    %sub3A_1149 = arith.subf %min3A_1141, %max3A_1137 : vector<64x64xf32>
    %sub3A_1150 = arith.subf %min3A_1143, %max3A_1139 : vector<64x64xf32>
    %mul3A_1151 = arith.mulf %sub3A_1149, %sub3A_1150 : vector<64x64xf32>
    %mul3A_1152 = arith.mulf %mul3A_1151, %convert_element_type3A_1148 : vector<64x64xf32>
    %sub3A_1153 = arith.subf %get3A_1131, %get3A_1123 : f32
    %sub3A_1154 = arith.subf %get3A_1135, %get3A_1127 : f32
    %mul3A_1155 = arith.mulf %sub3A_1153, %sub3A_1154 : f32
    %add3A_1156 = vector.broadcast %mul3A_1155 : f32 to vector<64x64xf32>
    %add3A_1157 = arith.addf %mul3A_99, %add3A_1156 : vector<64x64xf32>
    %sub3A_1158 = arith.subf %add3A_1157, %mul3A_1152 : vector<64x64xf32>
    %eq3A_1159 = arith.constant 0.000000e+00 : f32
    %eq3A_1160 = vector.broadcast %eq3A_1159 : f32 to vector<64x64xf32>
    %eq3A_1161 = arith.cmpf oeq, %sub3A_1158, %eq3A_1160 : vector<64x64xf32>
    %jit3A_1162 = arith.constant 1.000000e-16 : f32
    %broadcast_in_dim3A_1163 = vector.broadcast %jit3A_1162 : f32 to vector<64x64xf32>
    %select_n3A_1164 = arith.select %eq3A_1161, %broadcast_in_dim3A_1163, %sub3A_1158 : vector<64x64xi1>, vector<64x64xf32>
    %div3A_1165 = arith.divf %mul3A_1152, %select_n3A_1164 : vector<64x64xf32>
    %max3A_1166 = arith.maximumf %max3A_1098, %div3A_1165 : vector<64x64xf32>
    %get3A_1167 = arith.index_cast %select_n3A : i32 to index
    %get3A_1168 = arith.constant 2 : index
    %get3A_1169 = arith.constant 15 : index
    %get3A_1170 = memref.load %arg2[%get3A_1167, %get3A_1168, %get3A_1169] : memref<8x4x16xi32, #tpu.memory_space<smem>>
    %eq3A_1171 = arith.cmpi eq, %select_n3A_28, %get3A_1170 : i32
    %get3A_1172 = arith.index_cast %select_n3A : i32 to index
    %get3A_1173 = arith.constant 1 : index
    %get3A_1174 = arith.constant 15 : index
    %get3A_1175 = memref.load %arg2[%get3A_1172, %get3A_1173, %get3A_1174] : memref<8x4x16xi32, #tpu.memory_space<smem>>
    %eq3A_1176 = vector.broadcast %get3A_1175 : i32 to vector<64x64xi32>
    %eq3A_1177 = arith.cmpi eq, %iota3A, %eq3A_1176 : vector<64x64xi32>
    %and3A_1178 = vector.broadcast %eq3A_1171 : i1 to vector<64x64xi1>
    %and3A_1179 = arith.andi %and3A_1178, %eq3A_1177 : vector<64x64xi1>
    %get3A_1180 = arith.index_cast %select_n3A : i32 to index
    %get3A_1181 = arith.constant 0 : index
    %get3A_1182 = arith.constant 15 : index
    %get3A_1183 = memref.load %arg2[%get3A_1180, %get3A_1181, %get3A_1182] : memref<8x4x16xi32, #tpu.memory_space<smem>>
    %eq3A_1184 = vector.broadcast %get3A_1183 : i32 to vector<64x64xi32>
    %eq3A_1185 = arith.cmpi eq, %iota3A_44, %eq3A_1184 : vector<64x64xi32>
    %and3A_1186 = arith.andi %and3A_1179, %eq3A_1185 : vector<64x64xi1>
    %or3A_1187 = arith.ori %or3A_1119, %and3A_1186 : vector<64x64xi1>
    %convert_element_type3A_1188 = arith.extui %or3A_1187 : vector<64x64xi1> to vector<64x64xi32>
    %convert_element_type3A_1189 = arith.sitofp %convert_element_type3A_1188 : vector<64x64xi32> to vector<64x64xf32>
    %gt3A = arith.constant 5.000000e-01 : f32
    %gt3A_1190 = vector.broadcast %gt3A : f32 to vector<64x64xf32>
    %gt3A_1191 = arith.cmpf ogt, %max3A_1166, %gt3A_1190 : vector<64x64xf32>
    %convert_element_type3A_1192 = arith.extui %gt3A_1191 : vector<64x64xi1> to vector<64x64xi32>
    %convert_element_type3A_1193 = arith.sitofp %convert_element_type3A_1192 : vector<64x64xi32> to vector<64x64xf32>
    %sub3A_1194 = arith.constant 1.000000e+00 : f32
    %sub3A_1195 = vector.broadcast %sub3A_1194 : f32 to vector<64x64xf32>
    %sub3A_1196 = arith.subf %sub3A_1195, %convert_element_type3A_1193 : vector<64x64xf32>
    %jit3A_1197 = arith.constant 1.000000e+00 : f32
    %broadcast_in_dim3A_1198 = vector.broadcast %jit3A_1197 : f32 to vector<64x64xf32>
    %select_n3A_1199 = arith.select %or3A_1187, %broadcast_in_dim3A_1198, %sub3A_1196 : vector<64x64xi1>, vector<64x64xf32>
    %mul3A_1200 = arith.mulf %logistic3A_96, %select_n3A_1199 : vector<64x64xf32>
    %gt3A_1201 = arith.constant 0.000000e+00 : f32
    %gt3A_1202 = vector.broadcast %gt3A_1201 : f32 to vector<64x64xf32>
    %gt3A_1203 = arith.cmpf ogt, %mul3A_1200, %gt3A_1202 : vector<64x64xf32>
    %jit3A_1204 = arith.constant 1.000000e+00 : f32
    %broadcast_in_dim3A_1205 = vector.broadcast %jit3A_1204 : f32 to vector<64x64xf32>
    %select_n3A_1206 = arith.select %gt3A_1203, %mul3A_1200, %broadcast_in_dim3A_1205 : vector<64x64xi1>, vector<64x64xf32>
    %gt3A_1207 = arith.constant 0.000000e+00 : f32
    %gt3A_1208 = vector.broadcast %gt3A_1207 : f32 to vector<64x64xf32>
    %gt3A_1209 = arith.cmpf ogt, %mul3A_1200, %gt3A_1208 : vector<64x64xf32>
    %log3A = math.log %select_n3A_1206 : vector<64x64xf32>
    %max3A_1210 = arith.constant -1.000000e+02 : f32
    %max3A_1211 = vector.broadcast %max3A_1210 : f32 to vector<64x64xf32>
    %max3A_1212 = arith.maximumf %log3A, %max3A_1211 : vector<64x64xf32>
    %jit3A_1213 = arith.constant -1.000000e+02 : f32
    %broadcast_in_dim3A_1214 = vector.broadcast %jit3A_1213 : f32 to vector<64x64xf32>
    %select_n3A_1215 = arith.select %gt3A_1209, %max3A_1212, %broadcast_in_dim3A_1214 : vector<64x64xi1>, vector<64x64xf32>
    %sub3A_1216 = arith.constant 1.000000e+00 : f32
    %sub3A_1217 = vector.broadcast %sub3A_1216 : f32 to vector<64x64xf32>
    %sub3A_1218 = arith.subf %sub3A_1217, %mul3A_1200 : vector<64x64xf32>
    %gt3A_1219 = arith.constant 0.000000e+00 : f32
    %gt3A_1220 = vector.broadcast %gt3A_1219 : f32 to vector<64x64xf32>
    %gt3A_1221 = arith.cmpf ogt, %sub3A_1218, %gt3A_1220 : vector<64x64xf32>
    %jit3A_1222 = arith.constant 1.000000e+00 : f32
    %broadcast_in_dim3A_1223 = vector.broadcast %jit3A_1222 : f32 to vector<64x64xf32>
    %select_n3A_1224 = arith.select %gt3A_1221, %sub3A_1218, %broadcast_in_dim3A_1223 : vector<64x64xi1>, vector<64x64xf32>
    %gt3A_1225 = arith.constant 0.000000e+00 : f32
    %gt3A_1226 = vector.broadcast %gt3A_1225 : f32 to vector<64x64xf32>
    %gt3A_1227 = arith.cmpf ogt, %sub3A_1218, %gt3A_1226 : vector<64x64xf32>
    %log3A_1228 = math.log %select_n3A_1224 : vector<64x64xf32>
    %max3A_1229 = arith.constant -1.000000e+02 : f32
    %max3A_1230 = vector.broadcast %max3A_1229 : f32 to vector<64x64xf32>
    %max3A_1231 = arith.maximumf %log3A_1228, %max3A_1230 : vector<64x64xf32>
    %jit3A_1232 = arith.constant -1.000000e+02 : f32
    %broadcast_in_dim3A_1233 = vector.broadcast %jit3A_1232 : f32 to vector<64x64xf32>
    %select_n3A_1234 = arith.select %gt3A_1227, %max3A_1231, %broadcast_in_dim3A_1233 : vector<64x64xi1>, vector<64x64xf32>
    %mul3A_1235 = arith.mulf %convert_element_type3A_1189, %select_n3A_1215 : vector<64x64xf32>
    %sub3A_1236 = arith.constant 1.000000e+00 : f32
    %sub3A_1237 = vector.broadcast %sub3A_1236 : f32 to vector<64x64xf32>
    %sub3A_1238 = arith.subf %sub3A_1237, %convert_element_type3A_1189 : vector<64x64xf32>
    %mul3A_1239 = arith.mulf %sub3A_1238, %select_n3A_1234 : vector<64x64xf32>
    %add3A_1240 = arith.addf %mul3A_1235, %mul3A_1239 : vector<64x64xf32>
    %neg3A = arith.constant 0.000000e+00 : f32
    %neg3A_1241 = vector.broadcast %neg3A : f32 to vector<64x64xf32>
    %neg3A_1242 = arith.subf %neg3A_1241, %add3A_1240 : vector<64x64xf32>
    %reduce_sum3A = vector.shape_cast %neg3A_1242 : vector<64x64xf32> to vector<1x64x64xf32>
    %reduce_sum3A_1243 = arith.constant dense<0.000000e+00> : vector<1xf32>
    %reduce_sum3A_1244 = vector.multi_reduction <add>, %reduce_sum3A, %reduce_sum3A_1243 [1, 2] : vector<1x64x64xf32> to vector<1xf32>
    %reduce_sum3A_1245 = vector.shape_cast %reduce_sum3A_1244 : vector<1xf32> to vector<1x1x1xf32>
    %reduce_sum3A_1246 = vector.extract %reduce_sum3A_1245[0, 0, 0] : f32 from vector<1x1x1xf32>
    %sub3A_1247 = arith.subf %mul3A_1200, %convert_element_type3A_1189 : vector<64x64xf32>
    %integer_pow3A = arith.mulf %sub3A_1247, %sub3A_1247 : vector<64x64xf32>
    %reduce_sum3A_1248 = vector.shape_cast %integer_pow3A : vector<64x64xf32> to vector<1x64x64xf32>
    %reduce_sum3A_1249 = arith.constant dense<0.000000e+00> : vector<1xf32>
    %reduce_sum3A_1250 = vector.multi_reduction <add>, %reduce_sum3A_1248, %reduce_sum3A_1249 [1, 2] : vector<1x64x64xf32> to vector<1xf32>
    %reduce_sum3A_1251 = vector.shape_cast %reduce_sum3A_1250 : vector<1xf32> to vector<1x1x1xf32>
    %reduce_sum3A_1252 = vector.extract %reduce_sum3A_1251[0, 0, 0] : f32 from vector<1x1x1xf32>
    %iota3A_1253 = tpu.iota {dimensions = array<i32: 1>} : vector<1x128xi32>
    %eq3A_1254 = arith.constant 0 : i32
    %eq3A_1255 = vector.broadcast %eq3A_1254 : i32 to vector<1x128xi32>
    %eq3A_1256 = arith.cmpi eq, %iota3A_1253, %eq3A_1255 : vector<1x128xi32>
    %jit3A_1257 = arith.constant 0.000000e+00 : f32
    %broadcast_in_dim3A_1258 = vector.broadcast %reduce_sum3A_1246 : f32 to vector<1x128xf32>
    %broadcast_in_dim3A_1259 = vector.broadcast %jit3A_1257 : f32 to vector<1x128xf32>
    %select_n3A_1260 = arith.select %eq3A_1256, %broadcast_in_dim3A_1258, %broadcast_in_dim3A_1259 : vector<1x128xi1>, vector<1x128xf32>
    %eq3A_1261 = arith.constant 1 : i32
    %eq3A_1262 = vector.broadcast %eq3A_1261 : i32 to vector<1x128xi32>
    %eq3A_1263 = arith.cmpi eq, %iota3A_1253, %eq3A_1262 : vector<1x128xi32>
    %jit3A_1264 = arith.constant 0.000000e+00 : f32
    %broadcast_in_dim3A_1265 = vector.broadcast %reduce_sum3A_1252 : f32 to vector<1x128xf32>
    %broadcast_in_dim3A_1266 = vector.broadcast %jit3A_1264 : f32 to vector<1x128xf32>
    %select_n3A_1267 = arith.select %eq3A_1263, %broadcast_in_dim3A_1265, %broadcast_in_dim3A_1266 : vector<1x128xi1>, vector<1x128xf32>
    %add3A_1268 = arith.addf %select_n3A_1260, %select_n3A_1267 : vector<1x128xf32>
    %get3A_1269 = arith.constant 0 : index
    %get3A_1270 = arith.constant 0 : index
    %get3A_1271 = vector.load %arg4[%get3A_1269, %get3A_1270] : memref<1x128xf32, #tpu.memory_space<vmem>>, vector<1x128xf32>
    %add3A_1272 = arith.addf %get3A_1271, %add3A_1268 : vector<1x128xf32>
    %swap3A_1273 = arith.constant 0 : index
    %swap3A_1274 = arith.constant 0 : index
    %swap3A_1275 = vector.load %arg4[%swap3A_1273, %swap3A_1274] : memref<1x128xf32, #tpu.memory_space<vmem>>, vector<1x128xf32>
    tpu.vector_store %arg4[%swap3A_1273, %swap3A_1274], %add3A_1272 {strides = array<i32>} : memref<1x128xf32, #tpu.memory_space<vmem>>, vector<1x128xf32>,
    return
  }
  func.func @transform_0(%arg0: i32) -> (i32, i32, i32) {
    %c0_i32 = arith.constant 0 : i32
    %c0_i32_0 = arith.constant 0 : i32
    %c0_i32_1 = arith.constant 0 : i32
    %c0_i32_2 = arith.constant 0 : i32
    return %c0_i32, %c0_i32_0, %c0_i32_1 : i32, i32, i32
  }
  func.func @transform_1(%arg0: i32) -> (i32, i32, i32) {
    %c0_i32 = arith.constant 0 : i32
    %c0_i32_0 = arith.constant 0 : i32
    %c0_i32_1 = arith.constant 0 : i32
    %c0_i32_2 = arith.constant 0 : i32
    return %c0_i32, %c0_i32_0, %c0_i32_1 : i32, i32, i32
  }
  func.func @transform_2(%arg0: i32) -> (i32, i32, i32, i32, i32) {
    %jit3A = arith.constant 3 : i32
    %div3A = arith.divsi %arg0, %jit3A : i32
    %sign3A = arith.constant 0 : i32
    %sign3A_0 = arith.cmpi sgt, %arg0, %sign3A : i32
    %sign3A_1 = arith.extui %sign3A_0 : i1 to i32
    %sign3A_2 = arith.constant 0 : i32
    %sign3A_3 = arith.cmpi slt, %arg0, %sign3A_2 : i32
    %sign3A_4 = arith.extui %sign3A_3 : i1 to i32
    %sign3A_5 = arith.subi %sign3A_1, %sign3A_4 : i32
    %sign3A_6 = arith.constant 0 : i32
    %sign3A_7 = arith.cmpi sgt, %jit3A, %sign3A_6 : i32
    %sign3A_8 = arith.extui %sign3A_7 : i1 to i32
    %sign3A_9 = arith.constant 0 : i32
    %sign3A_10 = arith.cmpi slt, %jit3A, %sign3A_9 : i32
    %sign3A_11 = arith.extui %sign3A_10 : i1 to i32
    %sign3A_12 = arith.subi %sign3A_8, %sign3A_11 : i32
    %ne3A = arith.cmpi ne, %sign3A_5, %sign3A_12 : i32
    %rem3A = arith.remsi %arg0, %jit3A : i32
    %ne3A_13 = arith.constant 0 : i32
    %ne3A_14 = arith.cmpi ne, %rem3A, %ne3A_13 : i32
    %and3A = arith.andi %ne3A, %ne3A_14 : i1
    %sub3A = arith.constant 1 : i32
    %sub3A_15 = arith.subi %div3A, %sub3A : i32
    %select_n3A = arith.select %and3A, %sub3A_15, %div3A : i32
    %jit3A_16 = arith.constant 3 : i32
    %eq3A = arith.constant 0 : i32
    %eq3A_17 = arith.cmpi eq, %jit3A_16, %eq3A : i32
    %jit3A_18 = arith.constant 1 : i32
    %select_n3A_19 = arith.select %eq3A_17, %jit3A_18, %jit3A_16 : i32
    %rem3A_20 = arith.remsi %arg0, %select_n3A_19 : i32
    %ne3A_21 = arith.constant 0 : i32
    %ne3A_22 = arith.cmpi ne, %rem3A_20, %ne3A_21 : i32
    %lt3A = arith.constant 0 : i32
    %lt3A_23 = arith.cmpi slt, %rem3A_20, %lt3A : i32
    %lt3A_24 = arith.constant 0 : i32
    %lt3A_25 = arith.cmpi slt, %select_n3A_19, %lt3A_24 : i32
    %ne3A_26 = arith.xori %lt3A_23, %lt3A_25 : i1
    %and3A_27 = arith.andi %ne3A_26, %ne3A_22 : i1
    %add3A = arith.addi %rem3A_20, %select_n3A_19 : i32
    %select_n3A_28 = arith.select %and3A_27, %add3A, %rem3A_20 : i32
    %c0_i32 = arith.constant 0 : i32
    %c0_i32_29 = arith.constant 0 : i32
    %c0_i32_30 = arith.constant 0 : i32
    %c0_i32_31 = arith.constant 0 : i32
    return %c0_i32, %select_n3A, %select_n3A_28, %c0_i32_29, %c0_i32_30 : i32, i32, i32, i32, i32
  }
  func.func @transform_3(%arg0: i32) -> (i32, i32) {
    %c0_i32 = arith.constant 0 : i32
    %c0_i32_0 = arith.constant 0 : i32
    %c0_i32_1 = arith.constant 0 : i32
    return %c0_i32, %c0_i32_0 : i32, i32
  }
  func.func @transform_4(%arg0: i32) -> (i32, i32, i32, i32) {
    %jit3A = arith.constant 3 : i32
    %div3A = arith.divsi %arg0, %jit3A : i32
    %sign3A = arith.constant 0 : i32
    %sign3A_0 = arith.cmpi sgt, %arg0, %sign3A : i32
    %sign3A_1 = arith.extui %sign3A_0 : i1 to i32
    %sign3A_2 = arith.constant 0 : i32
    %sign3A_3 = arith.cmpi slt, %arg0, %sign3A_2 : i32
    %sign3A_4 = arith.extui %sign3A_3 : i1 to i32
    %sign3A_5 = arith.subi %sign3A_1, %sign3A_4 : i32
    %sign3A_6 = arith.constant 0 : i32
    %sign3A_7 = arith.cmpi sgt, %jit3A, %sign3A_6 : i32
    %sign3A_8 = arith.extui %sign3A_7 : i1 to i32
    %sign3A_9 = arith.constant 0 : i32
    %sign3A_10 = arith.cmpi slt, %jit3A, %sign3A_9 : i32
    %sign3A_11 = arith.extui %sign3A_10 : i1 to i32
    %sign3A_12 = arith.subi %sign3A_8, %sign3A_11 : i32
    %ne3A = arith.cmpi ne, %sign3A_5, %sign3A_12 : i32
    %rem3A = arith.remsi %arg0, %jit3A : i32
    %ne3A_13 = arith.constant 0 : i32
    %ne3A_14 = arith.cmpi ne, %rem3A, %ne3A_13 : i32
    %and3A = arith.andi %ne3A, %ne3A_14 : i1
    %sub3A = arith.constant 1 : i32
    %sub3A_15 = arith.subi %div3A, %sub3A : i32
    %select_n3A = arith.select %and3A, %sub3A_15, %div3A : i32
    %jit3A_16 = arith.constant 3 : i32
    %eq3A = arith.constant 0 : i32
    %eq3A_17 = arith.cmpi eq, %jit3A_16, %eq3A : i32
    %jit3A_18 = arith.constant 1 : i32
    %select_n3A_19 = arith.select %eq3A_17, %jit3A_18, %jit3A_16 : i32
    %rem3A_20 = arith.remsi %arg0, %select_n3A_19 : i32
    %ne3A_21 = arith.constant 0 : i32
    %ne3A_22 = arith.cmpi ne, %rem3A_20, %ne3A_21 : i32
    %lt3A = arith.constant 0 : i32
    %lt3A_23 = arith.cmpi slt, %rem3A_20, %lt3A : i32
    %lt3A_24 = arith.constant 0 : i32
    %lt3A_25 = arith.cmpi slt, %select_n3A_19, %lt3A_24 : i32
    %ne3A_26 = arith.xori %lt3A_23, %lt3A_25 : i1
    %and3A_27 = arith.andi %ne3A_26, %ne3A_22 : i1
    %add3A = arith.addi %rem3A_20, %select_n3A_19 : i32
    %select_n3A_28 = arith.select %and3A_27, %add3A, %rem3A_20 : i32
    %c0_i32 = arith.constant 0 : i32
    %c0_i32_29 = arith.constant 0 : i32
    %c0_i32_30 = arith.constant 0 : i32
    return %select_n3A, %select_n3A_28, %c0_i32, %c0_i32_29 : i32, i32, i32, i32
  }
}

module attributes {stable_mosaic.version = 14 : i64} {
  func.func @body(%arg0: memref<8x16x88xf32, #tpu.memory_space<vmem>>, %arg1: memref<8x8x16xf32, #tpu.memory_space<vmem>>, %arg2: memref<8x4x16xi32, #tpu.memory_space<vmem>>, %arg3: memref<1x128xf32, #tpu.memory_space<vmem>>) attributes {dimension_semantics = [], scalar_prefetch = 0 : i64, scratch_operands = 0 : i64, tpu.core_type = #tpu.core_type<tc>} {
    %get3A = arith.constant 0 : index
    %get3A_0 = arith.constant 0 : index
    %get3A_1 = arith.constant 0 : index
    %get3A_2 = vector.load %arg0[%get3A, %get3A_0, %get3A_1] : memref<8x16x88xf32, #tpu.memory_space<vmem>>, vector<8x16x88xf32>
    %get3A_3 = arith.constant 0 : index
    %get3A_4 = arith.constant 4 : index
    %get3A_5 = arith.constant 0 : index
    %get3A_6 = vector.load %arg1[%get3A_3, %get3A_4, %get3A_5] : memref<8x8x16xf32, #tpu.memory_space<vmem>>, vector<8x1x16xf32>
    %get3A_7 = vector.shape_cast %get3A_6 : vector<8x1x16xf32> to vector<8x16xf32>
    %get3A_8 = arith.constant 0 : index
    %get3A_9 = arith.constant 5 : index
    %get3A_10 = arith.constant 0 : index
    %get3A_11 = vector.load %arg1[%get3A_8, %get3A_9, %get3A_10] : memref<8x8x16xf32, #tpu.memory_space<vmem>>, vector<8x1x16xf32>
    %get3A_12 = vector.shape_cast %get3A_11 : vector<8x1x16xf32> to vector<8x16xf32>
    %get3A_13 = arith.constant 0 : index
    %get3A_14 = arith.constant 6 : index
    %get3A_15 = arith.constant 0 : index
    %get3A_16 = vector.load %arg1[%get3A_13, %get3A_14, %get3A_15] : memref<8x8x16xf32, #tpu.memory_space<vmem>>, vector<8x1x16xf32>
    %get3A_17 = vector.shape_cast %get3A_16 : vector<8x1x16xf32> to vector<8x16xf32>
    %get3A_18 = arith.constant 0 : index
    %get3A_19 = arith.constant 7 : index
    %get3A_20 = arith.constant 0 : index
    %get3A_21 = vector.load %arg1[%get3A_18, %get3A_19, %get3A_20] : memref<8x8x16xf32, #tpu.memory_space<vmem>>, vector<8x1x16xf32>
    %get3A_22 = vector.shape_cast %get3A_21 : vector<8x1x16xf32> to vector<8x16xf32>
    %get3A_23 = arith.constant 0 : index
    %get3A_24 = arith.constant 0 : index
    %get3A_25 = arith.constant 0 : index
    %get3A_26 = vector.load %arg2[%get3A_23, %get3A_24, %get3A_25] : memref<8x4x16xi32, #tpu.memory_space<vmem>>, vector<8x1x16xi32>
    %get3A_27 = vector.shape_cast %get3A_26 : vector<8x1x16xi32> to vector<8x16xi32>
    %get3A_28 = arith.constant 0 : index
    %get3A_29 = arith.constant 1 : index
    %get3A_30 = arith.constant 0 : index
    %get3A_31 = vector.load %arg2[%get3A_28, %get3A_29, %get3A_30] : memref<8x4x16xi32, #tpu.memory_space<vmem>>, vector<8x1x16xi32>
    %get3A_32 = vector.shape_cast %get3A_31 : vector<8x1x16xi32> to vector<8x16xi32>
    %get3A_33 = arith.constant 0 : index
    %get3A_34 = arith.constant 2 : index
    %get3A_35 = arith.constant 0 : index
    %get3A_36 = vector.load %arg2[%get3A_33, %get3A_34, %get3A_35] : memref<8x4x16xi32, #tpu.memory_space<vmem>>, vector<8x1x16xi32>
    %get3A_37 = vector.shape_cast %get3A_36 : vector<8x1x16xi32> to vector<8x16xi32>
    %get3A_38 = arith.constant 0 : index
    %get3A_39 = arith.constant 3 : index
    %get3A_40 = arith.constant 0 : index
    %get3A_41 = vector.load %arg2[%get3A_38, %get3A_39, %get3A_40] : memref<8x4x16xi32, #tpu.memory_space<vmem>>, vector<8x1x16xi32>
    %get3A_42 = vector.shape_cast %get3A_41 : vector<8x1x16xi32> to vector<8x16xi32>
    %mul3A = arith.constant 64 : i32
    %mul3A_43 = vector.broadcast %mul3A : i32 to vector<8x16xi32>
    %mul3A_44 = arith.muli %get3A_37, %mul3A_43 : vector<8x16xi32>
    %add3A = arith.addi %mul3A_44, %get3A_32 : vector<8x16xi32>
    %mul3A_45 = arith.constant 64 : i32
    %mul3A_46 = vector.broadcast %mul3A_45 : i32 to vector<8x16xi32>
    %mul3A_47 = arith.muli %add3A, %mul3A_46 : vector<8x16xi32>
    %add3A_48 = arith.addi %mul3A_47, %get3A_27 : vector<8x16xi32>
    %broadcast_in_dim3A = vector.shape_cast %add3A_48 : vector<8x16xi32> to vector<8x16x1xi32>
    %broadcast_in_dim3A_49 = vector.shape_cast %add3A_48 : vector<8x16xi32> to vector<8x1x16xi32>
    %eq3A = vector.broadcast %broadcast_in_dim3A : vector<8x16x1xi32> to vector<8x16x16xi32>
    %eq3A_50 = vector.broadcast %broadcast_in_dim3A_49 : vector<8x1x16xi32> to vector<8x16x16xi32>
    %eq3A_51 = arith.cmpi eq, %eq3A, %eq3A_50 : vector<8x16x16xi32>
    %iota3A = tpu.iota {dimensions = array<i32: 1>} : vector<8x16x16xi32>
    %iota3A_52 = tpu.iota {dimensions = array<i32: 2>} : vector<8x16x16xi32>
    %gt3A = arith.cmpi sgt, %iota3A_52, %iota3A : vector<8x16x16xi32>
    %and3A = arith.andi %eq3A_51, %gt3A : vector<8x16x16xi1>
    %reduce_or3A = arith.constant 1.000000e+00 : f32
    %reduce_or3A_53 = arith.constant 0.000000e+00 : f32
    %reduce_or3A_54 = vector.broadcast %reduce_or3A : f32 to vector<8x16x16xf32>
    %reduce_or3A_55 = vector.broadcast %reduce_or3A_53 : f32 to vector<8x16x16xf32>
    %reduce_or3A_56 = arith.select %and3A, %reduce_or3A_54, %reduce_or3A_55 : vector<8x16x16xi1>, vector<8x16x16xf32>
    %reduce_or3A_57 = arith.constant dense<0xFF800000> : vector<8x16xf32>
    %reduce_or3A_58 = vector.multi_reduction <maximumf>, %reduce_or3A_56, %reduce_or3A_57 [2] : vector<8x16x16xf32> to vector<8x16xf32>
    %reduce_or3A_59 = arith.constant 0.000000e+00 : f32
    %reduce_or3A_60 = vector.broadcast %reduce_or3A_59 : f32 to vector<8x16xf32>
    %reduce_or3A_61 = arith.cmpf ogt, %reduce_or3A_58, %reduce_or3A_60 : vector<8x16xf32>
    %not3A = arith.constant dense<true> : vector<8x16xi1>
    %not3A_62 = arith.xori %reduce_or3A_61, %not3A : vector<8x16xi1>
    %convert_element_type3A = arith.extui %eq3A_51 : vector<8x16x16xi1> to vector<8x16x16xi32>
    %convert_element_type3A_63 = arith.sitofp %convert_element_type3A : vector<8x16x16xi32> to vector<8x16x16xf32>
    %iota3A_64 = tpu.iota {dimensions = array<i32: 2>} : vector<8x16x80xi32>
    %broadcast_in_dim3A_65 = vector.shape_cast %get3A_42 : vector<8x16xi32> to vector<8x16x1xi32>
    %eq3A_66 = vector.broadcast %broadcast_in_dim3A_65 : vector<8x16x1xi32> to vector<8x16x80xi32>
    %eq3A_67 = arith.cmpi eq, %iota3A_64, %eq3A_66 : vector<8x16x80xi32>
    %convert_element_type3A_68 = arith.extui %eq3A_67 : vector<8x16x80xi1> to vector<8x16x80xi32>
    %convert_element_type3A_69 = arith.sitofp %convert_element_type3A_68 : vector<8x16x80xi32> to vector<8x16x80xf32>
    %dot_general3A = arith.constant dense<0.000000e+00> : vector<8x16x80xf32>
    %dot_general3A_70 = tpu.matmul %convert_element_type3A_63, %convert_element_type3A_69, %dot_general3A {dimension_numbers = #tpu.dot_dimension_numbers<[2], [1], [1], [2], [0, 0, 0, 1, 1, 2], [0], [0]>, transpose_lhs_hint = false} : vector<8x16x16xf32>, vector<8x16x80xf32>, vector<8x16x80xf32> -> vector<8x16x80xf32>
    %gt3A_71 = arith.constant 0.000000e+00 : f32
    %gt3A_72 = vector.broadcast %gt3A_71 : f32 to vector<8x16x80xf32>
    %gt3A_73 = arith.cmpf ogt, %dot_general3A_70, %gt3A_72 : vector<8x16x80xf32>
    %convert_element_type3A_74 = arith.extui %gt3A_73 : vector<8x16x80xi1> to vector<8x16x80xi32>
    %convert_element_type3A_75 = arith.sitofp %convert_element_type3A_74 : vector<8x16x80xi32> to vector<8x16x80xf32>
    %slice3A = vector.extract_strided_slice %get3A_2 {offsets = [0, 0, 0], sizes = [8, 16, 1], strides = [1, 1, 1]} : vector<8x16x88xf32> to vector<8x16x1xf32>
    %squeeze3A = vector.shape_cast %slice3A : vector<8x16x1xf32> to vector<8x16xf32>
    %logistic3A = arith.negf %squeeze3A : vector<8x16xf32>
    %logistic3A_76 = math.exp %logistic3A : vector<8x16xf32>
    %logistic3A_77 = arith.constant 1.000000e+00 : f32
    %logistic3A_78 = vector.broadcast %logistic3A_77 : f32 to vector<8x16xf32>
    %logistic3A_79 = arith.addf %logistic3A_78, %logistic3A_76 : vector<8x16xf32>
    %logistic3A_80 = arith.divf %logistic3A_78, %logistic3A_79 : vector<8x16xf32>
    %slice3A_81 = vector.extract_strided_slice %get3A_2 {offsets = [0, 0, 1], sizes = [8, 16, 1], strides = [1, 1, 1]} : vector<8x16x88xf32> to vector<8x16x1xf32>
    %squeeze3A_82 = vector.shape_cast %slice3A_81 : vector<8x16x1xf32> to vector<8x16xf32>
    %logistic3A_83 = arith.negf %squeeze3A_82 : vector<8x16xf32>
    %logistic3A_84 = math.exp %logistic3A_83 : vector<8x16xf32>
    %logistic3A_85 = arith.constant 1.000000e+00 : f32
    %logistic3A_86 = vector.broadcast %logistic3A_85 : f32 to vector<8x16xf32>
    %logistic3A_87 = arith.addf %logistic3A_86, %logistic3A_84 : vector<8x16xf32>
    %logistic3A_88 = arith.divf %logistic3A_86, %logistic3A_87 : vector<8x16xf32>
    %slice3A_89 = vector.extract_strided_slice %get3A_2 {offsets = [0, 0, 2], sizes = [8, 16, 1], strides = [1, 1, 1]} : vector<8x16x88xf32> to vector<8x16x1xf32>
    %squeeze3A_90 = vector.shape_cast %slice3A_89 : vector<8x16x1xf32> to vector<8x16xf32>
    %slice3A_91 = vector.extract_strided_slice %get3A_2 {offsets = [0, 0, 3], sizes = [8, 16, 1], strides = [1, 1, 1]} : vector<8x16x88xf32> to vector<8x16x1xf32>
    %squeeze3A_92 = vector.shape_cast %slice3A_91 : vector<8x16x1xf32> to vector<8x16xf32>
    %slice3A_93 = vector.extract_strided_slice %get3A_2 {offsets = [0, 0, 5], sizes = [8, 16, 80], strides = [1, 1, 1]} : vector<8x16x88xf32> to vector<8x16x80xf32>
    %logistic3A_94 = arith.negf %slice3A_93 : vector<8x16x80xf32>
    %logistic3A_95 = math.exp %logistic3A_94 : vector<8x16x80xf32>
    %logistic3A_96 = arith.constant 1.000000e+00 : f32
    %logistic3A_97 = vector.broadcast %logistic3A_96 : f32 to vector<8x16x80xf32>
    %logistic3A_98 = arith.addf %logistic3A_97, %logistic3A_95 : vector<8x16x80xf32>
    %logistic3A_99 = arith.divf %logistic3A_97, %logistic3A_98 : vector<8x16x80xf32>
    %convert_element_type3A_100 = arith.extui %not3A_62 : vector<8x16xi1> to vector<8x16xi32>
    %convert_element_type3A_101 = arith.sitofp %convert_element_type3A_100 : vector<8x16xi32> to vector<8x16xf32>
    %mul3A_102 = arith.mulf %get3A_7, %get3A_7 : vector<8x16xf32>
    %gt3A_103 = arith.constant 0.000000e+00 : f32
    %gt3A_104 = vector.broadcast %gt3A_103 : f32 to vector<8x16xf32>
    %gt3A_105 = arith.cmpf ogt, %logistic3A_80, %gt3A_104 : vector<8x16xf32>
    %jit3A = arith.constant 1.000000e+00 : f32
    %broadcast_in_dim3A_106 = vector.broadcast %jit3A : f32 to vector<8x16xf32>
    %select_n3A = arith.select %gt3A_105, %logistic3A_80, %broadcast_in_dim3A_106 : vector<8x16xi1>, vector<8x16xf32>
    %gt3A_107 = arith.constant 0.000000e+00 : f32
    %gt3A_108 = vector.broadcast %gt3A_107 : f32 to vector<8x16xf32>
    %gt3A_109 = arith.cmpf ogt, %logistic3A_80, %gt3A_108 : vector<8x16xf32>
    %log3A = math.log %select_n3A : vector<8x16xf32>
    %max3A = arith.constant -1.000000e+02 : f32
    %max3A_110 = vector.broadcast %max3A : f32 to vector<8x16xf32>
    %max3A_111 = arith.maximumf %log3A, %max3A_110 : vector<8x16xf32>
    %jit3A_112 = arith.constant -1.000000e+02 : f32
    %broadcast_in_dim3A_113 = vector.broadcast %jit3A_112 : f32 to vector<8x16xf32>
    %select_n3A_114 = arith.select %gt3A_109, %max3A_111, %broadcast_in_dim3A_113 : vector<8x16xi1>, vector<8x16xf32>
    %sub3A = arith.constant 1.000000e+00 : f32
    %sub3A_115 = vector.broadcast %sub3A : f32 to vector<8x16xf32>
    %sub3A_116 = arith.subf %sub3A_115, %logistic3A_80 : vector<8x16xf32>
    %gt3A_117 = arith.constant 0.000000e+00 : f32
    %gt3A_118 = vector.broadcast %gt3A_117 : f32 to vector<8x16xf32>
    %gt3A_119 = arith.cmpf ogt, %sub3A_116, %gt3A_118 : vector<8x16xf32>
    %jit3A_120 = arith.constant 1.000000e+00 : f32
    %broadcast_in_dim3A_121 = vector.broadcast %jit3A_120 : f32 to vector<8x16xf32>
    %select_n3A_122 = arith.select %gt3A_119, %sub3A_116, %broadcast_in_dim3A_121 : vector<8x16xi1>, vector<8x16xf32>
    %gt3A_123 = arith.constant 0.000000e+00 : f32
    %gt3A_124 = vector.broadcast %gt3A_123 : f32 to vector<8x16xf32>
    %gt3A_125 = arith.cmpf ogt, %sub3A_116, %gt3A_124 : vector<8x16xf32>
    %log3A_126 = math.log %select_n3A_122 : vector<8x16xf32>
    %max3A_127 = arith.constant -1.000000e+02 : f32
    %max3A_128 = vector.broadcast %max3A_127 : f32 to vector<8x16xf32>
    %max3A_129 = arith.maximumf %log3A_126, %max3A_128 : vector<8x16xf32>
    %jit3A_130 = arith.constant -1.000000e+02 : f32
    %broadcast_in_dim3A_131 = vector.broadcast %jit3A_130 : f32 to vector<8x16xf32>
    %select_n3A_132 = arith.select %gt3A_125, %max3A_129, %broadcast_in_dim3A_131 : vector<8x16xi1>, vector<8x16xf32>
    %mul3A_133 = arith.mulf %get3A_22, %select_n3A_114 : vector<8x16xf32>
    %sub3A_134 = arith.constant 1.000000e+00 : f32
    %sub3A_135 = vector.broadcast %sub3A_134 : f32 to vector<8x16xf32>
    %sub3A_136 = arith.subf %sub3A_135, %get3A_22 : vector<8x16xf32>
    %mul3A_137 = arith.mulf %sub3A_136, %select_n3A_132 : vector<8x16xf32>
    %add3A_138 = arith.addf %mul3A_133, %mul3A_137 : vector<8x16xf32>
    %neg3A = arith.constant 0.000000e+00 : f32
    %neg3A_139 = vector.broadcast %neg3A : f32 to vector<8x16xf32>
    %neg3A_140 = arith.subf %neg3A_139, %add3A_138 : vector<8x16xf32>
    %gt3A_141 = arith.constant 0.000000e+00 : f32
    %gt3A_142 = vector.broadcast %gt3A_141 : f32 to vector<8x16xf32>
    %gt3A_143 = arith.cmpf ogt, %logistic3A_88, %gt3A_142 : vector<8x16xf32>
    %jit3A_144 = arith.constant 1.000000e+00 : f32
    %broadcast_in_dim3A_145 = vector.broadcast %jit3A_144 : f32 to vector<8x16xf32>
    %select_n3A_146 = arith.select %gt3A_143, %logistic3A_88, %broadcast_in_dim3A_145 : vector<8x16xi1>, vector<8x16xf32>
    %gt3A_147 = arith.constant 0.000000e+00 : f32
    %gt3A_148 = vector.broadcast %gt3A_147 : f32 to vector<8x16xf32>
    %gt3A_149 = arith.cmpf ogt, %logistic3A_88, %gt3A_148 : vector<8x16xf32>
    %log3A_150 = math.log %select_n3A_146 : vector<8x16xf32>
    %max3A_151 = arith.constant -1.000000e+02 : f32
    %max3A_152 = vector.broadcast %max3A_151 : f32 to vector<8x16xf32>
    %max3A_153 = arith.maximumf %log3A_150, %max3A_152 : vector<8x16xf32>
    %jit3A_154 = arith.constant -1.000000e+02 : f32
    %broadcast_in_dim3A_155 = vector.broadcast %jit3A_154 : f32 to vector<8x16xf32>
    %select_n3A_156 = arith.select %gt3A_149, %max3A_153, %broadcast_in_dim3A_155 : vector<8x16xi1>, vector<8x16xf32>
    %sub3A_157 = arith.constant 1.000000e+00 : f32
    %sub3A_158 = vector.broadcast %sub3A_157 : f32 to vector<8x16xf32>
    %sub3A_159 = arith.subf %sub3A_158, %logistic3A_88 : vector<8x16xf32>
    %gt3A_160 = arith.constant 0.000000e+00 : f32
    %gt3A_161 = vector.broadcast %gt3A_160 : f32 to vector<8x16xf32>
    %gt3A_162 = arith.cmpf ogt, %sub3A_159, %gt3A_161 : vector<8x16xf32>
    %jit3A_163 = arith.constant 1.000000e+00 : f32
    %broadcast_in_dim3A_164 = vector.broadcast %jit3A_163 : f32 to vector<8x16xf32>
    %select_n3A_165 = arith.select %gt3A_162, %sub3A_159, %broadcast_in_dim3A_164 : vector<8x16xi1>, vector<8x16xf32>
    %gt3A_166 = arith.constant 0.000000e+00 : f32
    %gt3A_167 = vector.broadcast %gt3A_166 : f32 to vector<8x16xf32>
    %gt3A_168 = arith.cmpf ogt, %sub3A_159, %gt3A_167 : vector<8x16xf32>
    %log3A_169 = math.log %select_n3A_165 : vector<8x16xf32>
    %max3A_170 = arith.constant -1.000000e+02 : f32
    %max3A_171 = vector.broadcast %max3A_170 : f32 to vector<8x16xf32>
    %max3A_172 = arith.maximumf %log3A_169, %max3A_171 : vector<8x16xf32>
    %jit3A_173 = arith.constant -1.000000e+02 : f32
    %broadcast_in_dim3A_174 = vector.broadcast %jit3A_173 : f32 to vector<8x16xf32>
    %select_n3A_175 = arith.select %gt3A_168, %max3A_172, %broadcast_in_dim3A_174 : vector<8x16xi1>, vector<8x16xf32>
    %mul3A_176 = arith.mulf %get3A_22, %select_n3A_156 : vector<8x16xf32>
    %sub3A_177 = arith.constant 1.000000e+00 : f32
    %sub3A_178 = vector.broadcast %sub3A_177 : f32 to vector<8x16xf32>
    %sub3A_179 = arith.subf %sub3A_178, %get3A_22 : vector<8x16xf32>
    %mul3A_180 = arith.mulf %sub3A_179, %select_n3A_175 : vector<8x16xf32>
    %add3A_181 = arith.addf %mul3A_176, %mul3A_180 : vector<8x16xf32>
    %neg3A_182 = arith.constant 0.000000e+00 : f32
    %neg3A_183 = vector.broadcast %neg3A_182 : f32 to vector<8x16xf32>
    %neg3A_184 = arith.subf %neg3A_183, %add3A_181 : vector<8x16xf32>
    %add3A_185 = arith.addf %neg3A_140, %neg3A_184 : vector<8x16xf32>
    %mul3A_186 = arith.mulf %add3A_185, %mul3A_102 : vector<8x16xf32>
    %sub3A_187 = arith.subf %squeeze3A_90, %get3A_12 : vector<8x16xf32>
    %integer_pow3A = arith.mulf %sub3A_187, %sub3A_187 : vector<8x16xf32>
    %sub3A_188 = arith.subf %squeeze3A_92, %get3A_17 : vector<8x16xf32>
    %integer_pow3A_189 = arith.mulf %sub3A_188, %sub3A_188 : vector<8x16xf32>
    %add3A_190 = arith.addf %integer_pow3A, %integer_pow3A_189 : vector<8x16xf32>
    %mul3A_191 = arith.mulf %mul3A_186, %convert_element_type3A_101 : vector<8x16xf32>
    %reduce_sum3A = vector.shape_cast %mul3A_191 : vector<8x16xf32> to vector<1x8x16xf32>
    %reduce_sum3A_192 = arith.constant dense<0.000000e+00> : vector<1xf32>
    %reduce_sum3A_193 = vector.multi_reduction <add>, %reduce_sum3A, %reduce_sum3A_192 [1, 2] : vector<1x8x16xf32> to vector<1xf32>
    %reduce_sum3A_194 = vector.shape_cast %reduce_sum3A_193 : vector<1xf32> to vector<1x1x1xf32>
    %reduce_sum3A_195 = vector.extract %reduce_sum3A_194[0, 0, 0] : f32 from vector<1x1x1xf32>
    %mul3A_196 = arith.mulf %mul3A_102, %add3A_190 : vector<8x16xf32>
    %mul3A_197 = arith.mulf %mul3A_196, %convert_element_type3A_101 : vector<8x16xf32>
    %reduce_sum3A_198 = vector.shape_cast %mul3A_197 : vector<8x16xf32> to vector<1x8x16xf32>
    %reduce_sum3A_199 = arith.constant dense<0.000000e+00> : vector<1xf32>
    %reduce_sum3A_200 = vector.multi_reduction <add>, %reduce_sum3A_198, %reduce_sum3A_199 [1, 2] : vector<1x8x16xf32> to vector<1xf32>
    %reduce_sum3A_201 = vector.shape_cast %reduce_sum3A_200 : vector<1xf32> to vector<1x1x1xf32>
    %reduce_sum3A_202 = vector.extract %reduce_sum3A_201[0, 0, 0] : f32 from vector<1x1x1xf32>
    %mul3A_203 = arith.constant 5.000000e-01 : f32
    %mul3A_204 = arith.mulf %reduce_sum3A_202, %mul3A_203 : f32
    %gt3A_205 = arith.constant 0.000000e+00 : f32
    %gt3A_206 = vector.broadcast %gt3A_205 : f32 to vector<8x16x80xf32>
    %gt3A_207 = arith.cmpf ogt, %logistic3A_99, %gt3A_206 : vector<8x16x80xf32>
    %jit3A_208 = arith.constant 1.000000e+00 : f32
    %broadcast_in_dim3A_209 = vector.broadcast %jit3A_208 : f32 to vector<8x16x80xf32>
    %select_n3A_210 = arith.select %gt3A_207, %logistic3A_99, %broadcast_in_dim3A_209 : vector<8x16x80xi1>, vector<8x16x80xf32>
    %gt3A_211 = arith.constant 0.000000e+00 : f32
    %gt3A_212 = vector.broadcast %gt3A_211 : f32 to vector<8x16x80xf32>
    %gt3A_213 = arith.cmpf ogt, %logistic3A_99, %gt3A_212 : vector<8x16x80xf32>
    %log3A_214 = math.log %select_n3A_210 : vector<8x16x80xf32>
    %max3A_215 = arith.constant -1.000000e+02 : f32
    %max3A_216 = vector.broadcast %max3A_215 : f32 to vector<8x16x80xf32>
    %max3A_217 = arith.maximumf %log3A_214, %max3A_216 : vector<8x16x80xf32>
    %jit3A_218 = arith.constant -1.000000e+02 : f32
    %broadcast_in_dim3A_219 = vector.broadcast %jit3A_218 : f32 to vector<8x16x80xf32>
    %select_n3A_220 = arith.select %gt3A_213, %max3A_217, %broadcast_in_dim3A_219 : vector<8x16x80xi1>, vector<8x16x80xf32>
    %sub3A_221 = arith.constant 1.000000e+00 : f32
    %sub3A_222 = vector.broadcast %sub3A_221 : f32 to vector<8x16x80xf32>
    %sub3A_223 = arith.subf %sub3A_222, %logistic3A_99 : vector<8x16x80xf32>
    %gt3A_224 = arith.constant 0.000000e+00 : f32
    %gt3A_225 = vector.broadcast %gt3A_224 : f32 to vector<8x16x80xf32>
    %gt3A_226 = arith.cmpf ogt, %sub3A_223, %gt3A_225 : vector<8x16x80xf32>
    %jit3A_227 = arith.constant 1.000000e+00 : f32
    %broadcast_in_dim3A_228 = vector.broadcast %jit3A_227 : f32 to vector<8x16x80xf32>
    %select_n3A_229 = arith.select %gt3A_226, %sub3A_223, %broadcast_in_dim3A_228 : vector<8x16x80xi1>, vector<8x16x80xf32>
    %gt3A_230 = arith.constant 0.000000e+00 : f32
    %gt3A_231 = vector.broadcast %gt3A_230 : f32 to vector<8x16x80xf32>
    %gt3A_232 = arith.cmpf ogt, %sub3A_223, %gt3A_231 : vector<8x16x80xf32>
    %log3A_233 = math.log %select_n3A_229 : vector<8x16x80xf32>
    %max3A_234 = arith.constant -1.000000e+02 : f32
    %max3A_235 = vector.broadcast %max3A_234 : f32 to vector<8x16x80xf32>
    %max3A_236 = arith.maximumf %log3A_233, %max3A_235 : vector<8x16x80xf32>
    %jit3A_237 = arith.constant -1.000000e+02 : f32
    %broadcast_in_dim3A_238 = vector.broadcast %jit3A_237 : f32 to vector<8x16x80xf32>
    %select_n3A_239 = arith.select %gt3A_232, %max3A_236, %broadcast_in_dim3A_238 : vector<8x16x80xi1>, vector<8x16x80xf32>
    %mul3A_240 = arith.mulf %convert_element_type3A_75, %select_n3A_220 : vector<8x16x80xf32>
    %sub3A_241 = arith.constant 1.000000e+00 : f32
    %sub3A_242 = vector.broadcast %sub3A_241 : f32 to vector<8x16x80xf32>
    %sub3A_243 = arith.subf %sub3A_242, %convert_element_type3A_75 : vector<8x16x80xf32>
    %mul3A_244 = arith.mulf %sub3A_243, %select_n3A_239 : vector<8x16x80xf32>
    %add3A_245 = arith.addf %mul3A_240, %mul3A_244 : vector<8x16x80xf32>
    %neg3A_246 = arith.constant 0.000000e+00 : f32
    %neg3A_247 = vector.broadcast %neg3A_246 : f32 to vector<8x16x80xf32>
    %neg3A_248 = arith.subf %neg3A_247, %add3A_245 : vector<8x16x80xf32>
    %reduce_sum3A_249 = arith.constant dense<0.000000e+00> : vector<8x16xf32>
    %reduce_sum3A_250 = vector.multi_reduction <add>, %neg3A_248, %reduce_sum3A_249 [2] : vector<8x16x80xf32> to vector<8x16xf32>
    %mul3A_251 = arith.mulf %reduce_sum3A_250, %convert_element_type3A_101 : vector<8x16xf32>
    %reduce_sum3A_252 = vector.shape_cast %mul3A_251 : vector<8x16xf32> to vector<1x8x16xf32>
    %reduce_sum3A_253 = arith.constant dense<0.000000e+00> : vector<1xf32>
    %reduce_sum3A_254 = vector.multi_reduction <add>, %reduce_sum3A_252, %reduce_sum3A_253 [1, 2] : vector<1x8x16xf32> to vector<1xf32>
    %reduce_sum3A_255 = vector.shape_cast %reduce_sum3A_254 : vector<1xf32> to vector<1x1x1xf32>
    %reduce_sum3A_256 = vector.extract %reduce_sum3A_255[0, 0, 0] : f32 from vector<1x1x1xf32>
    %sub3A_257 = arith.subf %logistic3A_80, %get3A_22 : vector<8x16xf32>
    %integer_pow3A_258 = arith.mulf %sub3A_257, %sub3A_257 : vector<8x16xf32>
    %sub3A_259 = arith.subf %logistic3A_88, %get3A_22 : vector<8x16xf32>
    %integer_pow3A_260 = arith.mulf %sub3A_259, %sub3A_259 : vector<8x16xf32>
    %add3A_261 = arith.addf %integer_pow3A_258, %integer_pow3A_260 : vector<8x16xf32>
    %mul3A_262 = arith.mulf %mul3A_102, %add3A_190 : vector<8x16xf32>
    %add3A_263 = arith.addf %add3A_261, %mul3A_262 : vector<8x16xf32>
    %sub3A_264 = arith.subf %logistic3A_99, %convert_element_type3A_75 : vector<8x16x80xf32>
    %integer_pow3A_265 = arith.mulf %sub3A_264, %sub3A_264 : vector<8x16x80xf32>
    %reduce_sum3A_266 = arith.constant dense<0.000000e+00> : vector<8x16xf32>
    %reduce_sum3A_267 = vector.multi_reduction <add>, %integer_pow3A_265, %reduce_sum3A_266 [2] : vector<8x16x80xf32> to vector<8x16xf32>
    %add3A_268 = arith.addf %add3A_263, %reduce_sum3A_267 : vector<8x16xf32>
    %mul3A_269 = arith.mulf %add3A_268, %convert_element_type3A_101 : vector<8x16xf32>
    %reduce_sum3A_270 = vector.shape_cast %mul3A_269 : vector<8x16xf32> to vector<1x8x16xf32>
    %reduce_sum3A_271 = arith.constant dense<0.000000e+00> : vector<1xf32>
    %reduce_sum3A_272 = vector.multi_reduction <add>, %reduce_sum3A_270, %reduce_sum3A_271 [1, 2] : vector<1x8x16xf32> to vector<1xf32>
    %reduce_sum3A_273 = vector.shape_cast %reduce_sum3A_272 : vector<1xf32> to vector<1x1x1xf32>
    %reduce_sum3A_274 = vector.extract %reduce_sum3A_273[0, 0, 0] : f32 from vector<1x1x1xf32>
    %iota3A_275 = tpu.iota {dimensions = array<i32: 1>} : vector<1x128xi32>
    %eq3A_276 = arith.constant 2 : i32
    %eq3A_277 = vector.broadcast %eq3A_276 : i32 to vector<1x128xi32>
    %eq3A_278 = arith.cmpi eq, %iota3A_275, %eq3A_277 : vector<1x128xi32>
    %jit3A_279 = arith.constant 0.000000e+00 : f32
    %broadcast_in_dim3A_280 = vector.broadcast %reduce_sum3A_195 : f32 to vector<1x128xf32>
    %broadcast_in_dim3A_281 = vector.broadcast %jit3A_279 : f32 to vector<1x128xf32>
    %select_n3A_282 = arith.select %eq3A_278, %broadcast_in_dim3A_280, %broadcast_in_dim3A_281 : vector<1x128xi1>, vector<1x128xf32>
    %eq3A_283 = arith.constant 3 : i32
    %eq3A_284 = vector.broadcast %eq3A_283 : i32 to vector<1x128xi32>
    %eq3A_285 = arith.cmpi eq, %iota3A_275, %eq3A_284 : vector<1x128xi32>
    %jit3A_286 = arith.constant 0.000000e+00 : f32
    %broadcast_in_dim3A_287 = vector.broadcast %mul3A_204 : f32 to vector<1x128xf32>
    %broadcast_in_dim3A_288 = vector.broadcast %jit3A_286 : f32 to vector<1x128xf32>
    %select_n3A_289 = arith.select %eq3A_285, %broadcast_in_dim3A_287, %broadcast_in_dim3A_288 : vector<1x128xi1>, vector<1x128xf32>
    %add3A_290 = arith.addf %select_n3A_282, %select_n3A_289 : vector<1x128xf32>
    %eq3A_291 = arith.constant 4 : i32
    %eq3A_292 = vector.broadcast %eq3A_291 : i32 to vector<1x128xi32>
    %eq3A_293 = arith.cmpi eq, %iota3A_275, %eq3A_292 : vector<1x128xi32>
    %jit3A_294 = arith.constant 0.000000e+00 : f32
    %broadcast_in_dim3A_295 = vector.broadcast %reduce_sum3A_256 : f32 to vector<1x128xf32>
    %broadcast_in_dim3A_296 = vector.broadcast %jit3A_294 : f32 to vector<1x128xf32>
    %select_n3A_297 = arith.select %eq3A_293, %broadcast_in_dim3A_295, %broadcast_in_dim3A_296 : vector<1x128xi1>, vector<1x128xf32>
    %add3A_298 = arith.addf %add3A_290, %select_n3A_297 : vector<1x128xf32>
    %eq3A_299 = arith.constant 5 : i32
    %eq3A_300 = vector.broadcast %eq3A_299 : i32 to vector<1x128xi32>
    %eq3A_301 = arith.cmpi eq, %iota3A_275, %eq3A_300 : vector<1x128xi32>
    %jit3A_302 = arith.constant 0.000000e+00 : f32
    %broadcast_in_dim3A_303 = vector.broadcast %reduce_sum3A_274 : f32 to vector<1x128xf32>
    %broadcast_in_dim3A_304 = vector.broadcast %jit3A_302 : f32 to vector<1x128xf32>
    %select_n3A_305 = arith.select %eq3A_301, %broadcast_in_dim3A_303, %broadcast_in_dim3A_304 : vector<1x128xi1>, vector<1x128xf32>
    %add3A_306 = arith.addf %add3A_298, %select_n3A_305 : vector<1x128xf32>
    %swap3A = arith.constant 0 : index
    %swap3A_307 = arith.constant 0 : index
    %swap3A_308 = vector.load %arg3[%swap3A, %swap3A_307] : memref<1x128xf32, #tpu.memory_space<vmem>>, vector<1x128xf32>
    tpu.vector_store %arg3[%swap3A, %swap3A_307], %add3A_306 {strides = array<i32>} : memref<1x128xf32, #tpu.memory_space<vmem>>, vector<1x128xf32>,
    return
  }
}

</mosaic_0001>

<sc_bundles>
// kernel: kernel.6.cloned.1.call-start
scs
__scs_entry_jumppad:
0x0: {  	(pc) =	sbr.rel $0x88, $3  }
0x1: {  	(tag) =	ssettag $0x0;
	lr =	simm.s32 $0x1  }
0x2: {  	[smem:$0x3F9F] =	sst lr;
	_ =	strace $0xD0000000  }
0x3: {  	_ = 	snop  }
0x4: {  	_ = 	snop  }
0x5: {  	_ = 	snop  }
0x6: {  	_ = 	snop  }
0x7: {  	_ = 	snop  }
__scs_overlays_trampoline_lowered:
0x8: {  	[smem:$0x3FAE] =	sst s0  }
0x9: {  	[smem:$0x3FAF] =	sst s1  }
0xa: {  	[smem:$0x3FB0] =	sst s2  }
0xb: {  	[smem:$0x3FB1] =	sst s3  }
0xc: {  	[smem:$0x3FB2] =	sst s4  }
0xd: {  	[smem:$0x3FB3] =	sst s5  }
0xe: {  	[smem:$0x3FB4] =	sst s6  }
0xf: {  	[smem:$0x3FB5] =	sst s7  }
0x10: {  	[smem:$0x3FB6] =	sst s8  }
0x11: {  	[smem:$0x3FB7] =	sst s9;
	s0 =	simm.s32 @!p0 $0x0  }
0x12: {  	s1 =	sld [smem:$0x3F9D];
	s0 =	simm.s32 @p0 $0x1  }
0x13: {  	[smem:$0x3FB8] =	sst s0;
	s0 =	simm.s32 @!p1 $0x0  }
0x14: {  	s2 =	sld [smem:$0x3F9C];
	s0 =	simm.s32 @p1 $0x1  }
0x15: {  	[smem:$0x3FB9] =	sst s0;
	s0 =	simm.s32 @!p2 $0x0  }
0x16: {  	s3 =	sld [smem:$0x3FDB];
	s0 =	simm.s32 @p2 $0x1  }
0x17: {  	s4 =	simm.s32 $0x1BF5;
	[smem:$0x3FBB] =	sst s0  }
0x18: {  	s0 =	sld [smem:$0x3F9E];
	_ =	swait.ge [sflag:s4], $0x0  }
0x19: {  	s7 =	sld [smem:$0x3F9F]  }
0x1a: {  	s8 =	sadd.s32 $0xFFFFE003, lr  }
0x1b: {  	s9 =	sadd.s32 $0xFFFFFEF7, lr;
	s5 =	simm.s32 $0xFFFFFFFF;
	p2 =	slt.u32 s8, $0xFFFFF086  }
0x1c: {  	p1 =	slt.u32 s9, $0xF7A;
	s5 =	simm.s32 @!p2 $0x0  }
0x1d: {  	s5 =	simm.s32 @p1 $0x1;
	p0 =	seq.s32 s7, s2  }
0x1e: {  	s7 =	smul.u32 @!p0 $0xF7A, s2;
	p2 =	seq.s32 @!p0 s5, $0x0  }
0x1f: {  	s9 =	smul.u32 $0xF7A, s1;
	s8 =	simm.s32 @!p0 $0x1BF5;
	p2 =	por !p2, p0  }
0x20: {  	[sflag:s8] =	ssyncset.s32 @!p0 $0xFFFFF086;
	s6 =	sadd.s32 @!p0 s3, s7;
	s7 =	simm.s32 @!p0 $0x108  }
0x21: {  	s3 =	sadd.s32 s3, s9;
	s6 =	sadd.s32 @!p0 $0x88, s6;
	s7 =	simm.s32 @p2 $0x1082  }
0x22: {  	[simem:s7], [sflag:s8] =	dma.local @!p0 [hbm:s6], $0xF7A  }
0x23: {  	s9 =	sor.u32 $0xD0000000, s2;
	s6 =	simm.s32 $0x108;
	_ =	swait.ge @!p0 [sflag:s8], $0x0  }
0x24: {  	s3 =	sadd.s32 $0x88, s3;
	s6 =	simm.s32 @!p1 $0x1082;
	[sflag:s4] =	ssyncset.s32 $0xFFFFF086  }
0x25: {  	[simem:s6], [sflag:s4] =	dma.local [hbm:s3], $0xF7A  }
0x26: {  	[smem:$0x3F9F] =	sst s1;
	(tag) =	ssettag s2;
	_ =	strace s9  }
0x27: {  	s1 =	sld [smem:$0x3FAF]  }
0x28: {  	s2 =	sld [smem:$0x3FB0]  }
0x29: {  	s4 =	sld [smem:$0x3FB2]  }
0x2a: {  	p0 =	seq.s32 s5, $0x0;
	s5 =	sld [smem:$0x3FB3]  }
0x2b: {  	s6 =	sld [smem:$0x3FB4]  }
0x2c: {  	s7 =	sld [smem:$0x3FB5]  }
0x2d: {  	s3 =	simm.s32 $0x108;
	s8 =	sld [smem:$0x3FB6]  }
0x2e: {  	s3 =	simm.s32 @!p0 $0x1082;
	s9 =	sld [smem:$0x3FB7]  }
0x2f: {  	lr =	sadd.s32 s0, s3;
	s0 =	sld [smem:$0x3FAE]  }
0x30: {  	s3 =	sld [smem:$0x3FB1]  }
0x31: {  	[smem:$0x3FBA] =	sst s10  }
0x32: {  	s10 =	sld [smem:$0x3FB8];
	_ =	sdelay $0x3  }
0x33: {  	p0 =	seq.s32 s10, $0x1;
	s10 =	sld [smem:$0x3FBA];
	_ =	sdelay $0x3  }
0x34: {  	[smem:$0x3FBA] =	sst s10  }
0x35: {  	s10 =	sld [smem:$0x3FB9];
	_ =	sdelay $0x3  }
0x36: {  	p1 =	seq.s32 s10, $0x1;
	s10 =	sld [smem:$0x3FBA];
	_ =	sdelay $0x3  }
0x37: {  	[smem:$0x3FBA] =	sst s10  }
0x38: {  	s10 =	sld [smem:$0x3FBB]  }
0x39: {  	_ = 	snop;
	(pc) =	sbr.ind lr, $3  }
0x3a: {  	_ = 	snop  }
0x3b: {  	_ = 	snop  }
0x3c: {  	p2 =	seq.s32 s10, $0x1;
	s10 =	sld [smem:$0x3FBA]  }
0x3d: {  	_ =	shalt  }
0x3e: {  	_ =	shalt  }
0x3f: {  	_ =	shalt  }
0x40: {  	_ =	shalt  }
0x41: {  	_ =	shalt  }
0x42: {  	_ =	shalt  }
0x43: {  	_ =	shalt  }
0x44: {  	_ =	shalt  }
0x45: {  	_ =	shalt  }
0x46: {  	_ =	shalt  }
0x47: {  	_ =	shalt  }
0x48: {  	_ =	shalt  }
0x49: {  	_ =	shalt  }
0x4a: {  	_ =	shalt  }
0x4b: {  	_ =	shalt  }
0x4c: {  	_ =	shalt  }
0x4d: {  	_ =	shalt  }
0x4e: {  	_ =	shalt  }
0x4f: {  	_ =	shalt  }
0x50: {  	_ =	shalt  }
0x51: {  	_ =	shalt  }
0x52: {  	_ =	shalt  }
0x53: {  	_ =	shalt  }
0x54: {  	_ =	shalt  }
0x55: {  	_ =	shalt  }
0x56: {  	_ =	shalt  }
0x57: {  	_ =	shalt  }
0x58: {  	_ =	shalt  }
0x59: {  	_ =	shalt  }
0x5a: {  	_ =	shalt  }
0x5b: {  	_ =	shalt  }
0x5c: {  	_ =	shalt  }
0x5d: {  	_ =	shalt  }
0x5e: {  	_ =	shalt  }
0x5f: {  	_ =	shalt  }
0x60: {  	_ =	shalt  }
0x61: {  	_ =	shalt  }
0x62: {  	_ =	shalt  }
0x63: {  	_ =	shalt  }
0x64: {  	_ =	shalt  }
0x65: {  	_ =	shalt  }
0x66: {  	_ =	shalt  }
0x67: {  	_ =	shalt  }
0x68: {  	_ =	shalt  }
0x69: {  	_ =	shalt  }
0x6a: {  	_ =	shalt  }
0x6b: {  	_ =	shalt  }
0x6c: {  	_ =	shalt  }
0x6d: {  	_ =	shalt  }
0x6e: {  	_ =	shalt  }
0x6f: {  	_ =	shalt  }
0x70: {  	_ =	shalt  }
0x71: {  	_ =	shalt  }
0x72: {  	_ =	shalt  }
0x73: {  	_ =	shalt  }
0x74: {  	_ =	shalt  }
0x75: {  	_ =	shalt  }
0x76: {  	_ =	shalt  }
0x77: {  	_ =	shalt  }
0x78: {  	_ =	shalt  }
0x79: {  	_ =	shalt  }
0x7a: {  	_ =	shalt  }
0x7b: {  	_ =	shalt  }
0x7c: {  	_ =	shalt  }
0x7d: {  	_ =	shalt  }
0x7e: {  	_ =	shalt  }
0x7f: {  	_ =	shalt  }
0x80: {  	_ =	shalt  }
0x81: {  	_ =	shalt  }
0x82: {  	_ =	shalt  }
0x83: {  	_ =	shalt  }
0x84: {  	_ =	shalt  }
0x85: {  	_ =	shalt  }
0x86: {  	_ =	shalt  }
0x87: {  	_ =	shalt  }
.Lfunc_end0:
.L_simem_size_0:
called_computation_lowered:
.L_overlay_start_0:
0x88: {  	s2 =	sld [smem:$0x3FD9]  }
0x89: {  	s3 =	sld [smem:$0x3FFE];
	_ =	sdelay $0x1  }
0x8a: {  	s1 =	srdreg.scid  }
0x8b: {  	s0 =	sand.u32 $0x1, s1  }
0x8c: {  	s16 =	sshll.u32 s0, $0xA;
	s2 =	sadd.s32 s3, s2  }
0x8d: {  	s2 =	sadd.s32 s2, s16  }
0x8e: {  	[smem:$0x3FC6] =	sst s2  }
0x8f: {  	_ = 	snop  }
0x90: {  	(tm) =	ssettm $0x1  }
0x91: {  	s17 =	sld [smem:$0x3FFB];
	_ =	sdelay $0x3  }
0x92: {  	_ =	strace s17  }
0x93: {  	s2 =	sld [smem:$0x3FFC];
	_ =	sdelay $0x3  }
0x94: {  	_ =	strace s2  }
0x95: {  	s2 =	sld [smem:$0x3FFD];
	_ =	sdelay $0x3  }
0x96: {  	_ =	strace s2  }
0x97: {  	_ =	strace $0x8FFFFFFF  }
0x98: {  	s18 =	sld [smem:$0x3FDB];
	_ =	sdelay $0x1  }
0x99: {  	s19 =	simm.s32 $_scs_section_size  }
0x9a: {  	s4 =	simm.s32 $_size__tile_overlayer_lowered;
	s5 =	simm.s32 $_tile_overlayer_lowered  }
0x9b: {  	s22 =	simm.s32 $0x1BFF;
	s21 =	sshll.u32 s5, $0x1;
	s2 =	sadd.s32 s19, s18  }
0x9c: {  	s6 =	simm.s32 $0x0;
	s20 =	sshll.u32 s4, $0x1;
	s4 =	sadd.s32 s21, s2  }
0x9d: {  	[timem:s6], [sflag:s22] =	dma.local [hbm:s4], s20  }
0x9e: {  	_ =	swait.ge [sflag:s22], s20  }
0x9f: {  	s3 =	ssub.s32 $0x0, s20;
	[sflag:s22] =	ssyncset.done $0x0  }
0xa0: {  	[sflag:s22] =	ssyncadd.s32 s3;
	_ =	sdelay $0x1  }
0xa1: {  	s23 =	simm.s32 $0x1B8B  }
0xa2: {  	_ =	swait.ge [sflag:s23], $0x1  }
0xa3: {  	[sflag:s23] =	ssyncset.done $0x0  }
0xa4: {  	s25 =	simm.s32 $0x1B8E;
	s24 =	sld [smem:$0x3FFE];
	[sflag:s23] =	ssyncadd.s32 $0xFFFFFFFF  }
0xa5: {  	s26 =	simm.s32 $execute0_lowered;
	[smem:$0x3FD2] =	sst s25  }
0xa6: {  	s4 =	sshll.u32 s26, $0x1;
	_ =	strace $0x80000046;
	[dreg:$0x1] =	wrdreg $0xFFFFFFFF  }
0xa7: {  	s28 =	simm.s32 $_size_execute0_lowered;
	s2 =	sadd.s32 s2, s4;
	[dreg:$0x0] =	wrdreg $0x0  }
0xa8: {  	s4 =	sshll.u32 s28, $0x1;
	[dreg:$0x2] =	wrdreg s2  }
0xa9: {  	[dreg:$0x3] =	wrdreg s4  }
0xaa: {  	[dreg:$0x4] =	wrdreg $0xC0  }
0xab: {  	_ =	task [dreg:s6], $0x5FFFF  }
0xac: {  	[dreg:$0x1] =	wrdreg $0xFFFFFFFF  }
0xad: {  	[dreg:$0x0] =	wrdreg $0x60  }
0xae: {  	[dreg:$0x2] =	wrdreg s24  }
0xaf: {  	[dreg:$0x3] =	wrdreg $0x9  }
0xb0: {  	_ =	task.clear_ibuf [dreg:s6], $0x4FFFF;
	_ =	strace $0x90000046  }
0xb1: {  	s29 =	simm.s32 $0x9;
	_ =	strace $0x80000048  }
0xb2: {  	_ =	swait.ge [sflag:s29], $0x1  }
0xb3: {  	[sflag:s29] =	ssyncadd.s32 $0xFFFFFFFF  }
0xb4: {  	_ =	strace $0x90000048  }
0xb5: {  	_ =	sfence  }
0xb6: {  	s30 =	sld [smem:$0x0];
	_ =	sdelay $0x2  }
0xb7: {  	s31 =	sshll.u32 s1, $0xD;
	s1 =	sshrl.u32 s1, $0x2  }
0xb8: {  	s3 =	sand.u32 $0x4000, s31;
	s1 =	sadd.s32 s1, s30  }
0xb9: {  	s0 =	sor.u32 s3, s0;
	s1 =	sshll.u32 s1, $0x11  }
0xba: {  	s0 =	sor.u32 s1, s0  }
0xbb: {  	s0 =	sadd.s32 $0x8F2B, s0  }
0xbc: {  	[sflag:s0] =	ssyncadd.remote.s32 $0x1  }
0xbd: {  	_ =	sfence.sel $0xFFFF  }
0xbe: {  	[dreg:$0x0] =	wrdreg $0xFFFFFFFF;
	(pc) =	sbr.abs _section_cstart, $3  }
0xbf: {  	[dreg:$0x1] =	wrdreg $0xFFFFFFFF  }
0xc0: {  	_ =	task.clear_ibuf [dreg:s6], $0x2FFFF;
	_ =	strace $0x9FFFFFFF  }
0xc1: {  	(tm) =	ssettm $0x7FFFFFFF  }
tec
execute0_lowered:
.L_overlay_start_1:
0x0: {  	(tag) =	ssettag $0x1  }
0x1: {  	s1 =	srdreg.scid;
	s0 =	stileid.u32  }
0x2: {  	s16 =	sand.u32 $0x1, s1;
	s30 =	sshrl.u32 s0, $0x2;
	s2 =	sshll.u32 s0, $0x8  }
0x3: {  	s1 =	smul.u32 $0xC00, s30;
	s3 =	sshll.u32 s16, $0x7;
	s2 =	sand.u32 $0x300, s2  }
0x4: {  	s2 =	sor.u32 s3, s2  }
0x5: {  	s7 =	rddreg [dreg:$0x0];
	s4 =	simm.s32 $0x80;
	s3 =	sor.u32 s1, s2  }
0x6: {  	s6 =	simm.s32 $0x400;
	s2 =	simm.s32 $0x0;
	s3 =	sshrl.u32 s3, $0x3  }
0x7: {  	s5 =	simm.s32 $0x2;
	[smem:$0x7FF] =	sst s2;
	s17 =	sadd.s32 s3, s7  }
0x8: {  	s1 =	rddreg [dreg:$0x1];
	_ =	strace $0x80000047;
	s3 =	sadd.s32 $0xA00, s17  }
0x9: {  	[tilespmem:s2], [sflag:$0x2] =	stream.strided.gather [hbm4b:s3+s4], $0x180, s6, s4, $0x38;
	[tilespmem:$0x300] =	vst v63  }
0xa: {  	_ =	swait.ge [sflag:s5], $0x180  }
0xb: {  	s8 =	simm.s32 $0x58;
	[sflag:s5] =	ssyncset.done $0x0  }
0xc: {  	s9 =	simm.s32 $0x180;
	s7 =	sadd.s32 $0x1FF000, s7;
	[sflag:s5] =	ssyncadd.s32 $0xFFFFFE80  }
0xd: {  	[tilespmem:s9], [sflag:$0x1] =	stream.indirect.gather [hbm4b:s7+s8], $0x1, s2, s8, $0xb8;
	[tilespmem:$0x300] =	vst v63  }
0xe: {  	s10 =	simm.s32 $0x1D8  }
0xf: {  	[tilespmem:s10], [sflag:$0x1] =	stream.indirect.gather [hbm4b:s7+s8], $0x1, s8, s8, $0xb8;
	[tilespmem:$0x300] =	vst v63  }
0x10: {  	s11 =	simm.s32 $0xB0;
	s12 =	simm.s32 $0x230  }
0x11: {  	[tilespmem:s12], [sflag:$0x1] =	stream.indirect.gather [hbm4b:s7+s8], $0x1, s11, s8, $0xb8;
	[tilespmem:$0x300] =	vst v63  }
0x12: {  	s13 =	simm.s32 $0x108;
	s14 =	simm.s32 $0x288;
	s15 =	simm.s32 $0x1  }
0x13: {  	[tilespmem:s14], [sflag:$0x1] =	stream.indirect.gather [hbm4b:s7+s8], $0x1, s13, s8, $0xb8;
	[tilespmem:$0x300] =	vst v63  }
0x14: {  	_ =	swait.ge [sflag:s15], $0x58  }
0x15: {  	[sflag:s15] =	ssyncset.done $0x0  }
0x16: {  	[sflag:s15] =	ssyncadd.s32 $0xFFFFFFA8  }
0x17: {  	_ =	swait.ge [sflag:s15], $0x58  }
0x18: {  	[sflag:s15] =	ssyncset.done $0x0  }
0x19: {  	s16 =	ssub.s32 $0x2, s16;
	[sflag:s15] =	ssyncadd.s32 $0xFFFFFFA8  }
0x1a: {  	s18 =	sshrl.u32 s16, $0x1;
	_ =	swait.ge [sflag:s15], $0x58  }
0x1b: {  	s18 =	ssub.s32 s16, s18;
	[sflag:s15] =	ssyncset.done $0x0  }
0x1c: {  	s31 =	smax.u32 s18, $0x1;
	[sflag:s15] =	ssyncadd.s32 $0xFFFFFFA8  }
0x1d: {  	p0 =	sne.s32 s31, $0x1;
	_ =	swait.ge [sflag:s15], $0x58  }
.Ltmp0:
0x1e: {  	[sflag:s15] =	ssyncset.done $0x0;
	(pc) =	sbr.rel @!p0 .LBB2_2-.Ltmp0, $4  }
0x1f: {  	s16 =	sadd.s32 $0x1000, s17;
	[sflag:s15] =	ssyncadd.s32 $0xFFFFFFA8  }
0x20: {  	[hbm4b:s16+s4] =	stream.strided.scatter [tilespmem:s9], [sflag:$0x2], $0x180, s6, s4, $0x38;
	[tilespmem:$0x300] =	vst v63  }
0x21: {  	_ =	swait.ge [sflag:s5], $0x180  }
0x22: {  	s17 =	sadd.s32 $0xFFFFFFFF, s31;
	[sflag:s5] =	ssyncset.done $0x0  }
.LBB2_1:
0x23: {  	p0 =	sne.s32 s17, $0x1;
	s17 =	sadd.s32 $0xFFFFFFFF, s17;
	[sflag:s5] =	ssyncadd.s32 $0xFFFFFE80  }
0x24: {  	[tilespmem:s2], [sflag:$0x2] =	stream.strided.gather [hbm4b:s3+s4], $0x180, s6, s4, $0x38;
	[tilespmem:$0x300] =	vst v63  }
0x25: {  	_ =	swait.ge [sflag:s5], $0x180  }
0x26: {  	[sflag:s5] =	ssyncset.done $0x0  }
0x27: {  	[sflag:s5] =	ssyncadd.s32 $0xFFFFFE80  }
0x28: {  	[tilespmem:s9], [sflag:$0x1] =	stream.indirect.gather [hbm4b:s7+s8], $0x1, s2, s8, $0xb8;
	[tilespmem:$0x300] =	vst v63  }
0x29: {  	_ = 	snop  }
0x2a: {  	[tilespmem:s10], [sflag:$0x1] =	stream.indirect.gather [hbm4b:s7+s8], $0x1, s8, s8, $0xb8;
	[tilespmem:$0x300] =	vst v63  }
0x2b: {  	_ = 	snop  }
0x2c: {  	[tilespmem:s12], [sflag:$0x1] =	stream.indirect.gather [hbm4b:s7+s8], $0x1, s11, s8, $0xb8;
	[tilespmem:$0x300] =	vst v63  }
0x2d: {  	_ = 	snop  }
0x2e: {  	[tilespmem:s14], [sflag:$0x1] =	stream.indirect.gather [hbm4b:s7+s8], $0x1, s13, s8, $0xb8;
	[tilespmem:$0x300] =	vst v63  }
0x2f: {  	_ =	swait.ge [sflag:s15], $0x58  }
0x30: {  	[sflag:s15] =	ssyncset.done $0x0  }
0x31: {  	[sflag:s15] =	ssyncadd.s32 $0xFFFFFFA8  }
0x32: {  	_ =	swait.ge [sflag:s15], $0x58  }
0x33: {  	[sflag:s15] =	ssyncset.done $0x0  }
0x34: {  	[sflag:s15] =	ssyncadd.s32 $0xFFFFFFA8  }
0x35: {  	_ =	swait.ge [sflag:s15], $0x58  }
0x36: {  	[sflag:s15] =	ssyncset.done $0x0  }
0x37: {  	[sflag:s15] =	ssyncadd.s32 $0xFFFFFFA8  }
0x38: {  	_ =	swait.ge [sflag:s15], $0x58  }
.Ltmp1:
0x39: {  	[sflag:s15] =	ssyncset.done $0x0;
	(pc) =	sbr.rel @p0 .LBB2_1-.Ltmp1, $4  }
0x3a: {  	[sflag:s15] =	ssyncadd.s32 $0xFFFFFFA8  }
0x3b: {  	[hbm4b:s16+s4] =	stream.strided.scatter [tilespmem:s9], [sflag:$0x2], $0x180, s6, s4, $0x38;
	[tilespmem:$0x300] =	vst v63  }
0x3c: {  	_ =	swait.ge [sflag:s5], $0x180  }
0x3d: {  	[sflag:s5] =	ssyncset.done $0x0  }
.LBB2_2:
0x3e: {  	[sflag:s5] =	ssyncadd.s32 $0xFFFFFE80  }
0x3f: {  	_ =	sfence.sel $0x180000  }
0x40: {  	[bflag:$0x0] =	sbarrier.arrive $0xFFFF  }
0x41: {  	p0 =	sne.s32 s0, $0x0;
	_ =	strace $0x90000047  }
0x42: {  	s0 =	sadd.s32 @!p0 $0x100000, s1;
	[bflag:$0x2] =	sbarrier.arrive $0xFFFF  }
0x43: {  	[sflag:s0] =	ssyncadd.tile.s32 @!p0 $0x1;
	_ =	shalt  }
.Lfunc_end2:
_tile_overlayer_lowered:
.L_overlay_start_2:
0x44: {  	(tag) =	ssettag $0x2  }
0x45: {  	s0 =	rddreg [dreg:$0x0];
	s2 =	stileid.u32  }
0x46: {  	s1 =	rddreg [dreg:$0x1];
	p0 =	sne.s32 s2, $0x0  }
0x47: {  	s3 =	rddreg [dreg:$0x2];
	[bflag:$0x3] =	sbarrier.arrive $0xFFFF;
	s2 =	simm.s32 @!p0 $0x1C02  }
0x48: {  	[timem:s3], [sflag:s2] =	dma.local @!p0 [hbm:s0], s1  }
0x49: {  	s0 =	simm.s32 @!p0 $0x2  }
0x4a: {  	_ =	swait.ge @!p0 [sflag:s0], s1  }
0x4b: {  	s1 =	ssub.s32 @!p0 $0x0, s1;
	[sflag:s0] =	ssyncset.done @!p0 $0x0  }
0x4c: {  	[sflag:s0] =	ssyncadd.s32 @!p0 s1  }
0x4d: {  	[bflag:$0x3] =	sbarrier.arrive $0xFFFF  }
0x4e: {  	_ =	shalt  }

</sc_bundles>
